<compile_context>
chip_gen: v7x
topology: tpu7x:2x2x1
jax: 0.10.2.dev20260603
libtpu: 0.0.44.dev20260713+nightly
codegen_flags: <defaults>
</compile_context>

<pallas_src>
import functools

import jax
import jax.numpy as jnp
from jax import lax
from jax.experimental import pallas as pl
from jax.experimental.pallas import tpu as pltpu
from jax.experimental.pallas import tpu_sc as plsc

_NUM_CORES = 2
_NUM_SUBCORES = 16
_NUM_TILES = _NUM_CORES * _NUM_SUBCORES
_LANES = 16
_INF_PACKED = 0x7F807F80


def _matmul_theta(x, W_theta_p):
    n, d_in = x.shape
    d_out = W_theta_p.shape[0]
    half = d_out // 2

    def body(w_ref, x_ref, y_ref, p_ref):
        y = lax.dot_general(
            w_ref[...], x_ref[...],
            dimension_numbers=(((1,), (1,)), ((), ())),
            preferred_element_type=jnp.float32)
        y_ref[...] = y
        hi = lax.bitcast_convert_type(
            y[:half].astype(jnp.bfloat16), jnp.uint16).astype(jnp.int32)
        lo = lax.bitcast_convert_type(
            y[half:].astype(jnp.bfloat16), jnp.uint16).astype(jnp.int32)
        p_ref[...] = (hi << 16) | lo

    return pl.pallas_call(
        body,
        out_shape=(
            jax.ShapeDtypeStruct((d_out, n), jnp.float32),
            jax.ShapeDtypeStruct((half, n), jnp.int32),
        ),
    )(W_theta_p, x)


def _matmul_phi(yT, m_packed, W_phi_p):
    d_out, n = yT.shape

    def body(y_ref, m_ref, w_ref, o_ref):
        mp = m_ref[...]
        m_hi = lax.bitcast_convert_type(
            mp & jnp.int32(-65536), jnp.float32)
        m_lo = lax.bitcast_convert_type(mp << 16, jnp.float32)
        m = jnp.concatenate([m_hi, m_lo], axis=0)
        z = jnp.where(jnp.isposinf(m), 0.0, y_ref[...] - m)
        o_ref[...] = lax.dot_general(
            z, w_ref[...],
            dimension_numbers=(((0,), (1,)), ((), ())),
            preferred_element_type=jnp.float32)

    return pl.pallas_call(
        body,
        out_shape=jax.ShapeDtypeStruct((n, d_out), jnp.float32),
    )(yT, m_packed, W_phi_p)


def _bf16_pair_min(a_i32, b_i32):
    a = plsc.bitcast(a_i32, jnp.bfloat16)
    b = plsc.bitcast(b_i32, jnp.bfloat16)
    return plsc.bitcast(jnp.minimum(a, b), jnp.int32)


def _segment_min(ypk_flat, rows, cols, npk, n):
    e = rows.shape[0]
    ppt = npk // _NUM_TILES
    ch = 6400
    unroll = 8
    assert e % ch == 0 and ch % (_LANES * unroll) == 0
    nv = ch // _LANES

    mesh = plsc.VectorSubcoreMesh(
        core_axis_name="c", subcore_axis_name="s")

    @functools.partial(
        pl.kernel,
        out_type=jax.ShapeDtypeStruct((npk * n,), jnp.int32),
        mesh=mesh,
        compiler_params=pltpu.CompilerParams(needs_layout_passes=False),
        scratch_types=[
            pltpu.VMEM((ppt * n,), jnp.int32),
            *[pltpu.VMEM((n,), jnp.int32) for _ in range(2 * ppt)],
            pltpu.VMEM((ch,), jnp.int32),
            pltpu.VMEM((ch,), jnp.int32),
            pltpu.VMEM((ch,), jnp.int32),
            pltpu.VMEM((ch,), jnp.int32),
            pltpu.SemaphoreType.DMA,
            pltpu.SemaphoreType.DMA,
            pltpu.SemaphoreType.DMA,
            pltpu.SemaphoreType.DMA,
        ],
    )
    def k(ypk_hbm, rows_hbm, cols_hbm, out_hbm, ycols, *rest):
        tbls = (rest[:ppt], rest[ppt:2 * ppt])
        (rbuf0, cbuf0, rbuf1, cbuf1,
         sr0, sc0, sr1, sc1) = rest[2 * ppt:]
        wid = lax.axis_index("s") * _NUM_CORES + lax.axis_index("c")
        base = wid * (ppt * n)
        pltpu.sync_copy(ypk_hbm.at[pl.ds(base, ppt * n)], ycols)

        inf_v = jnp.full((_LANES,), _INF_PACKED, dtype=jnp.int32)

        def init_body(j, _):
            for b in range(2):
                for p in range(ppt):
                    tbls[b][p][pl.ds(j * _LANES, _LANES)] = inf_v
            return 0
        lax.fori_loop(0, n // _LANES, init_body, 0)

        nchunks = e // ch

        def process_chunk(rbuf, cbuf):
            def grp_body(gi, _):
                rws_l, first_l, yvs_l = [], [], []
                for u in range(unroll):
                    v = gi * unroll + u
                    rws = rbuf[pl.ds(v * _LANES, _LANES)]
                    cls = cbuf[pl.ds(v * _LANES, _LANES)]
                    cnt, _last = plsc.scan_count(rws)
                    rws_l.append(rws)
                    first_l.append(cnt == 1)
                    yvs_l.append([plsc.load_gather(ycols, [cls + p * n])
                                  for p in range(ppt)])
                for u in range(unroll):
                    bk = tbls[u % 2]
                    curs = [plsc.load_gather(bk[p], [rws_l[u]])
                            for p in range(ppt)]
                    for p in range(ppt):
                        plsc.store_scatter(
                            bk[p], [rws_l[u]],
                            _bf16_pair_min(curs[p], yvs_l[u][p]),
                            mask=first_l[u])

                all_first = first_l[0]
                for u in range(1, unroll):
                    all_first = jnp.logical_and(all_first, first_l[u])

                @pl.when(jnp.logical_not(jnp.all(all_first)))
                def _():
                    for u in range(unroll):
                        bk = tbls[u % 2]

                        def wbody(pn, u=u, bk=bk):
                            cnt_p, _ = plsc.scan_count(rws_l[u], mask=pn)
                            wm = jnp.logical_and(pn, cnt_p == 1)
                            for p in range(ppt):
                                cur = plsc.load_gather(
                                    bk[p], [rws_l[u]], mask=wm)
                                plsc.store_scatter(
                                    bk[p], [rws_l[u]],
                                    _bf16_pair_min(cur, yvs_l[u][p]),
                                    mask=wm)
                            return jnp.logical_and(
                                pn, jnp.logical_not(wm))
                        lax.while_loop(
                            lambda pn: jnp.any(pn), wbody,
                            jnp.logical_not(first_l[u]))
                return 0
            lax.fori_loop(0, nv // unroll, grp_body, 0)

        def start_copy(ci, rbuf, cbuf, sr, sc):
            pltpu.async_copy(rows_hbm.at[pl.ds(ci * ch, ch)], rbuf, sr)
            pltpu.async_copy(cols_hbm.at[pl.ds(ci * ch, ch)], cbuf, sc)

        def wait_copy(ci, rbuf, cbuf, sr, sc):
            pltpu.make_async_copy(
                rows_hbm.at[pl.ds(ci * ch, ch)], rbuf, sr).wait()
            pltpu.make_async_copy(
                cols_hbm.at[pl.ds(ci * ch, ch)], cbuf, sc).wait()

        start_copy(0, rbuf0, cbuf0, sr0, sc0)

        def pair_body(pi, _):
            ci0 = 2 * pi
            wait_copy(ci0, rbuf0, cbuf0, sr0, sc0)
            start_copy(ci0 + 1, rbuf1, cbuf1, sr1, sc1)
            process_chunk(rbuf0, cbuf0)
            wait_copy(ci0 + 1, rbuf1, cbuf1, sr1, sc1)
            start_copy((ci0 + 2) % nchunks, rbuf0, cbuf0, sr0, sc0)
            process_chunk(rbuf1, cbuf1)
            return 0
        assert nchunks % 2 == 0
        lax.fori_loop(0, nchunks // 2, pair_body, 0)
        wait_copy(0, rbuf0, cbuf0, sr0, sc0)

        def merge_body(j, _):
            sl = pl.ds(j * _LANES, _LANES)
            for p in range(ppt):
                tbls[0][p][sl] = _bf16_pair_min(
                    tbls[0][p][sl], tbls[1][p][sl])
            return 0
        lax.fori_loop(0, n // _LANES, merge_body, 0)

        for p in range(ppt):
            pltpu.sync_copy(
                tbls[0][p], out_hbm.at[pl.ds(base + p * n, n)])

    return k(ypk_flat, rows, cols)


def kernel(x, edge_index, W_theta, W_phi):
    n, _ = x.shape
    d_out = W_theta.shape[0]
    npk = d_out // 2
    W_theta_p = jnp.concatenate([W_theta[0::2], W_theta[1::2]], axis=0)
    W_phi_p = jnp.concatenate([W_phi[:, 0::2], W_phi[:, 1::2]], axis=1)
    ei = edge_index.astype(jnp.int32)
    rows = ei[0]
    cols = ei[1]
    yT, ypk = _matmul_theta(x, W_theta_p)
    m_packed = _segment_min(ypk.reshape(-1), rows, cols, npk, n)
    return _matmul_phi(yT, m_packed.reshape(npk, n), W_phi_p)

# --- scband reference (transcript-rebuilt; emitter-appended) ---
"""Pipeline reference for scband-dev-conv-7121055777147 (READ-ONLY COPY).

The authoritative reference and input builder live on the scoring server;
editing this copy changes nothing except your own understanding.
"""

import jax, jax.numpy as jnp
import numpy as np

N = 10000
E = 320000
D_IN = 128
D_OUT = 128

def setup_inputs(seed: int = 0) -> dict:
    key = jax.random.key(seed)
    k1, k2, k3, k4 = jax.random.split(key, 4)
    x = jax.random.normal(k1, (N, D_IN), dtype=jnp.float32)
    edge_index = jax.random.randint(k2, (2, E), 0, N, dtype=jnp.int64)
    # nn.Linear weights: shape [out_features, in_features], applied as x @ W.T
    W_theta = jax.random.normal(k3, (D_OUT, D_IN), dtype=jnp.float32) * (1.0 / np.sqrt(D_IN))
    W_phi = jax.random.normal(k4, (D_OUT, D_OUT), dtype=jnp.float32) * (1.0 / np.sqrt(D_OUT))
    return {"x": x, "edge_index": edge_index, "W_theta": W_theta, "W_phi": W_phi}

def reference(x, edge_index, W_theta, W_phi):
    row = edge_index[0]
    col = edge_index[1]
    # gather source/dest node features (SparseCore gather)
    rel_pos = jnp.take(x, row, axis=0) - jnp.take(x, col, axis=0)
    rel_pos_transformed = rel_pos @ W_theta.T
    # scatter-max over destination index (SparseCore segment reduce)
    aggr_out = jax.ops.segment_max(rel_pos_transformed, row, num_segments=x.shape[0])
    # torch_scatter.scatter_max fills empty segments with 0; jax uses -inf
    aggr_out = jnp.where(jnp.isneginf(aggr_out), 0.0, aggr_out)
    out = aggr_out @ W_phi.T
    return out

if __name__ == "__main__":
    import jax
    _d = setup_inputs()
    print(jax.jit(kernel)(*tuple(_d.values())))

</pallas_src>

<mosaic_0001>
#map = affine_map<(d0, d1) -> (0)>
module attributes {stable_mosaic.version = 14 : i64} {
  func.func @k(%arg0: i32, %arg1: i32, %arg2: memref<640000xi32, #tpu.memory_space<hbm>>, %arg3: memref<320000xi32, #tpu.memory_space<hbm>>, %arg4: memref<320000xi32, #tpu.memory_space<hbm>>, %arg5: memref<640000xi32, #tpu.memory_space<hbm>>, %arg6: memref<20000xi32, #tpu.memory_space<vmem>>, %arg7: memref<10000xi32, #tpu.memory_space<vmem>>, %arg8: memref<10000xi32, #tpu.memory_space<vmem>>, %arg9: memref<10000xi32, #tpu.memory_space<vmem>>, %arg10: memref<10000xi32, #tpu.memory_space<vmem>>, %arg11: memref<6400xi32, #tpu.memory_space<vmem>>, %arg12: memref<6400xi32, #tpu.memory_space<vmem>>, %arg13: memref<6400xi32, #tpu.memory_space<vmem>>, %arg14: memref<6400xi32, #tpu.memory_space<vmem>>, %arg15: memref<!tpu.dma_semaphore, #tpu.memory_space<semaphore_mem>>, %arg16: memref<!tpu.dma_semaphore, #tpu.memory_space<semaphore_mem>>, %arg17: memref<!tpu.dma_semaphore, #tpu.memory_space<semaphore_mem>>, %arg18: memref<!tpu.dma_semaphore, #tpu.memory_space<semaphore_mem>>) attributes {dimension_semantics = [#tpu.dimension_semantics<core_parallel>, #tpu.dimension_semantics<subcore_parallel>], iteration_bounds = array<i64: 2, 16>, scalar_prefetch = 0 : i64, scratch_operands = 13 : i64, tpu.core_type = #tpu.core_type<sc_vector_subcore>, window_params = [{transform_indices = #map}, {transform_indices = #map}, {transform_indices = #map}, {transform_indices = #map}]} {
    %mul3A = arith.constant 2 : i32
    %mul3A_0 = arith.muli %arg1, %mul3A : i32
    %add3A = arith.addi %mul3A_0, %arg0 : i32
    %mul3A_1 = arith.constant 20000 : i32
    %mul3A_2 = arith.muli %add3A, %mul3A_1 : i32
    "tpu.region"() ({
      %run_scoped3A = tpu.sem_alloc : memref<!tpu.dma_semaphore, #tpu.memory_space<semaphore_mem>>
      %dma_start3A_42 = tpu.memref_slice %arg2[%mul3A_2] : memref<640000xi32, #tpu.memory_space<hbm>> -> memref<20000xi32, #tpu.memory_space<hbm>>
      %dma_start3A_43 = tpu.memref_slice %arg2[%mul3A_2] : memref<640000xi32, #tpu.memory_space<hbm>> -> memref<20000xi32, #tpu.memory_space<hbm>>
      tpu.enqueue_dma source(%dma_start3A_43 : memref<20000xi32, #tpu.memory_space<hbm>>) target(%arg6 : memref<20000xi32, #tpu.memory_space<vmem>>) target_semaphore(%run_scoped3A : memref<!tpu.dma_semaphore, #tpu.memory_space<semaphore_mem>>)
      %dma_wait3A_44 = tpu.memref_slice %arg2[%mul3A_2] : memref<640000xi32, #tpu.memory_space<hbm>> -> memref<20000xi32, #tpu.memory_space<hbm>>
      %dma_wait3A_45 = tpu.memref_slice %arg2[%mul3A_2] : memref<640000xi32, #tpu.memory_space<hbm>> -> memref<20000xi32, #tpu.memory_space<hbm>>
      tpu.wait_dma2 semaphore(%run_scoped3A : memref<!tpu.dma_semaphore, #tpu.memory_space<semaphore_mem>>) src(%dma_wait3A_45 : memref<20000xi32, #tpu.memory_space<hbm>>) dst(%arg6 : memref<20000xi32, #tpu.memory_space<vmem>>)
      tpu.yield
    }) : () -> ()
    %broadcast_in_dim3A = arith.constant 2139127680 : i32
    %broadcast_in_dim3A_3 = vector.broadcast %broadcast_in_dim3A : i32 to vector<16xi32>
    %scan3A = arith.constant 0 : i32
    %scan3A_4 = arith.constant 0 : i32
    %scan3A_5 = arith.constant 625 : i32
    %scan3A_6 = arith.addi %scan3A_4, %scan3A_5 : i32
    %scan3A_7 = arith.constant 1 : i32
    %scan3A_8 = scf.for %scan3A_42 = %scan3A_4 to %scan3A_6 step %scan3A_7 iter_args(%scan3A_43 = %scan3A) -> (i32)  : i32 {
      %mul3A_44 = arith.constant 16 : i32
      %mul3A_45 = arith.muli %scan3A_42, %mul3A_44 : i32
      %swap3A = arith.index_cast %mul3A_45 : i32 to index
      %swap3A_46 = tpu.vector_load %arg7[%swap3A] {strides = array<i32>} : memref<10000xi32, #tpu.memory_space<vmem>>, vector<16xi32>,
      tpu.vector_store %arg7[%swap3A], %broadcast_in_dim3A_3 {strides = array<i32>} : memref<10000xi32, #tpu.memory_space<vmem>>, vector<16xi32>,
      %mul3A_47 = arith.constant 16 : i32
      %mul3A_48 = arith.muli %scan3A_42, %mul3A_47 : i32
      %swap3A_49 = arith.index_cast %mul3A_48 : i32 to index
      %swap3A_50 = tpu.vector_load %arg8[%swap3A_49] {strides = array<i32>} : memref<10000xi32, #tpu.memory_space<vmem>>, vector<16xi32>,
      tpu.vector_store %arg8[%swap3A_49], %broadcast_in_dim3A_3 {strides = array<i32>} : memref<10000xi32, #tpu.memory_space<vmem>>, vector<16xi32>,
      %mul3A_51 = arith.constant 16 : i32
      %mul3A_52 = arith.muli %scan3A_42, %mul3A_51 : i32
      %swap3A_53 = arith.index_cast %mul3A_52 : i32 to index
      %swap3A_54 = tpu.vector_load %arg9[%swap3A_53] {strides = array<i32>} : memref<10000xi32, #tpu.memory_space<vmem>>, vector<16xi32>,
      tpu.vector_store %arg9[%swap3A_53], %broadcast_in_dim3A_3 {strides = array<i32>} : memref<10000xi32, #tpu.memory_space<vmem>>, vector<16xi32>,
      %mul3A_55 = arith.constant 16 : i32
      %mul3A_56 = arith.muli %scan3A_42, %mul3A_55 : i32
      %swap3A_57 = arith.index_cast %mul3A_56 : i32 to index
      %swap3A_58 = tpu.vector_load %arg10[%swap3A_57] {strides = array<i32>} : memref<10000xi32, #tpu.memory_space<vmem>>, vector<16xi32>,
      tpu.vector_store %arg10[%swap3A_57], %broadcast_in_dim3A_3 {strides = array<i32>} : memref<10000xi32, #tpu.memory_space<vmem>>, vector<16xi32>,
      %scan3A_59 = arith.constant 0 : i32
      scf.yield %scan3A_59 : i32
    }
    %scan3A_9 = arith.constant 625 : i32
    %dma_start3A = arith.constant 0 : i32
    %dma_start3A_10 = tpu.memref_slice %arg3[%dma_start3A] : memref<320000xi32, #tpu.memory_space<hbm>> -> memref<6400xi32, #tpu.memory_space<hbm>>
    %dma_start3A_11 = arith.constant 0 : i32
    %dma_start3A_12 = tpu.memref_slice %arg3[%dma_start3A_11] : memref<320000xi32, #tpu.memory_space<hbm>> -> memref<6400xi32, #tpu.memory_space<hbm>>
    tpu.enqueue_dma source(%dma_start3A_12 : memref<6400xi32, #tpu.memory_space<hbm>>) target(%arg11 : memref<6400xi32, #tpu.memory_space<vmem>>) target_semaphore(%arg15 : memref<!tpu.dma_semaphore, #tpu.memory_space<semaphore_mem>>)
    %dma_start3A_13 = arith.constant 0 : i32
    %dma_start3A_14 = tpu.memref_slice %arg4[%dma_start3A_13] : memref<320000xi32, #tpu.memory_space<hbm>> -> memref<6400xi32, #tpu.memory_space<hbm>>
    %dma_start3A_15 = arith.constant 0 : i32
    %dma_start3A_16 = tpu.memref_slice %arg4[%dma_start3A_15] : memref<320000xi32, #tpu.memory_space<hbm>> -> memref<6400xi32, #tpu.memory_space<hbm>>
    tpu.enqueue_dma source(%dma_start3A_16 : memref<6400xi32, #tpu.memory_space<hbm>>) target(%arg12 : memref<6400xi32, #tpu.memory_space<vmem>>) target_semaphore(%arg16 : memref<!tpu.dma_semaphore, #tpu.memory_space<semaphore_mem>>)
    %scan3A_17 = arith.constant 0 : i32
    %scan3A_18 = arith.constant 0 : i32
    %scan3A_19 = arith.constant 25 : i32
    %scan3A_20 = arith.addi %scan3A_18, %scan3A_19 : i32
    %scan3A_21 = arith.constant 1 : i32
    %scan3A_22 = scf.for %scan3A_42 = %scan3A_18 to %scan3A_20 step %scan3A_21 iter_args(%scan3A_43 = %scan3A_17) -> (i32)  : i32 {
      %mul3A_44 = arith.constant 2 : i32
      %mul3A_45 = arith.muli %mul3A_44, %scan3A_42 : i32
      %mul3A_46 = arith.constant 6400 : i32
      %mul3A_47 = arith.muli %mul3A_45, %mul3A_46 : i32
      %dma_wait3A_48 = tpu.memref_slice %arg3[%mul3A_47] : memref<320000xi32, #tpu.memory_space<hbm>> -> memref<6400xi32, #tpu.memory_space<hbm>>
      %dma_wait3A_49 = tpu.memref_slice %arg3[%mul3A_47] : memref<320000xi32, #tpu.memory_space<hbm>> -> memref<6400xi32, #tpu.memory_space<hbm>>
      tpu.wait_dma2 semaphore(%arg15 : memref<!tpu.dma_semaphore, #tpu.memory_space<semaphore_mem>>) src(%dma_wait3A_49 : memref<6400xi32, #tpu.memory_space<hbm>>) dst(%arg11 : memref<6400xi32, #tpu.memory_space<vmem>>)
      %mul3A_50 = arith.constant 6400 : i32
      %mul3A_51 = arith.muli %mul3A_45, %mul3A_50 : i32
      %dma_wait3A_52 = tpu.memref_slice %arg4[%mul3A_51] : memref<320000xi32, #tpu.memory_space<hbm>> -> memref<6400xi32, #tpu.memory_space<hbm>>
      %dma_wait3A_53 = tpu.memref_slice %arg4[%mul3A_51] : memref<320000xi32, #tpu.memory_space<hbm>> -> memref<6400xi32, #tpu.memory_space<hbm>>
      tpu.wait_dma2 semaphore(%arg16 : memref<!tpu.dma_semaphore, #tpu.memory_space<semaphore_mem>>) src(%dma_wait3A_53 : memref<6400xi32, #tpu.memory_space<hbm>>) dst(%arg12 : memref<6400xi32, #tpu.memory_space<vmem>>)
      %add3A_54 = arith.constant 1 : i32
      %add3A_55 = arith.addi %mul3A_45, %add3A_54 : i32
      %mul3A_56 = arith.constant 6400 : i32
      %mul3A_57 = arith.muli %add3A_55, %mul3A_56 : i32
      %dma_start3A_58 = tpu.memref_slice %arg3[%mul3A_57] : memref<320000xi32, #tpu.memory_space<hbm>> -> memref<6400xi32, #tpu.memory_space<hbm>>
      %dma_start3A_59 = tpu.memref_slice %arg3[%mul3A_57] : memref<320000xi32, #tpu.memory_space<hbm>> -> memref<6400xi32, #tpu.memory_space<hbm>>
      tpu.enqueue_dma source(%dma_start3A_59 : memref<6400xi32, #tpu.memory_space<hbm>>) target(%arg13 : memref<6400xi32, #tpu.memory_space<vmem>>) target_semaphore(%arg17 : memref<!tpu.dma_semaphore, #tpu.memory_space<semaphore_mem>>)
      %mul3A_60 = arith.constant 6400 : i32
      %mul3A_61 = arith.muli %add3A_55, %mul3A_60 : i32
      %dma_start3A_62 = tpu.memref_slice %arg4[%mul3A_61] : memref<320000xi32, #tpu.memory_space<hbm>> -> memref<6400xi32, #tpu.memory_space<hbm>>
      %dma_start3A_63 = tpu.memref_slice %arg4[%mul3A_61] : memref<320000xi32, #tpu.memory_space<hbm>> -> memref<6400xi32, #tpu.memory_space<hbm>>
      tpu.enqueue_dma source(%dma_start3A_63 : memref<6400xi32, #tpu.memory_space<hbm>>) target(%arg14 : memref<6400xi32, #tpu.memory_space<vmem>>) target_semaphore(%arg18 : memref<!tpu.dma_semaphore, #tpu.memory_space<semaphore_mem>>)
      %scan3A_64 = arith.constant 0 : i32
      %scan3A_65 = arith.constant 0 : i32
      %scan3A_66 = arith.constant 50 : i32
      %scan3A_67 = arith.addi %scan3A_65, %scan3A_66 : i32
      %scan3A_68 = arith.constant 1 : i32
      %scan3A_69 = scf.for %scan3A_108 = %scan3A_65 to %scan3A_67 step %scan3A_68 iter_args(%scan3A_109 = %scan3A_64) -> (i32)  : i32 {
        %mul3A_110 = arith.constant 8 : i32
        %mul3A_111 = arith.muli %scan3A_108, %mul3A_110 : i32
        %add3A_112 = arith.constant 0 : i32
        %add3A_113 = arith.addi %mul3A_111, %add3A_112 : i32
        %mul3A_114 = arith.constant 16 : i32
        %mul3A_115 = arith.muli %add3A_113, %mul3A_114 : i32
        %get3A = arith.index_cast %mul3A_115 : i32 to index
        %get3A_116 = tpu.vector_load %arg11[%get3A] {strides = array<i32>} : memref<6400xi32, #tpu.memory_space<vmem>>, vector<16xi32>,
        %mul3A_117 = arith.constant 16 : i32
        %mul3A_118 = arith.muli %add3A_113, %mul3A_117 : i32
        %get3A_119 = arith.index_cast %mul3A_118 : i32 to index
        %get3A_120 = tpu.vector_load %arg12[%get3A_119] {strides = array<i32>} : memref<6400xi32, #tpu.memory_space<vmem>>, vector<16xi32>,
        %broadcast_in_dim3A_121 = arith.constant true
        %broadcast_in_dim3A_122 = vector.broadcast %broadcast_in_dim3A_121 : i1 to vector<16xi1>
        %unique3A, %unique3A_123 = tpu.scan_count mask(%broadcast_in_dim3A_122 : vector<16xi1>) value(%get3A_116 : vector<16xi32>) : vector<16xi1>, vector<16xi32>
        %eq3A_124 = arith.constant 1 : i32
        %eq3A_125 = vector.broadcast %eq3A_124 : i32 to vector<16xi32>
        %eq3A_126 = arith.cmpi eq, %unique3A_123, %eq3A_125 : vector<16xi32>
        %add3A_127 = arith.constant 0 : i32
        %add3A_128 = vector.broadcast %add3A_127 : i32 to vector<16xi32>
        %add3A_129 = arith.addi %get3A_120, %add3A_128 : vector<16xi32>
        %gather3A = tpu.vector_load_idx %arg6[%add3A_129] : memref<20000xi32, #tpu.memory_space<vmem>>[vector<16xi32>], vector<16xi32>,
        %add3A_130 = arith.constant 10000 : i32
        %add3A_131 = vector.broadcast %add3A_130 : i32 to vector<16xi32>
        %add3A_132 = arith.addi %get3A_120, %add3A_131 : vector<16xi32>
        %gather3A_133 = tpu.vector_load_idx %arg6[%add3A_132] : memref<20000xi32, #tpu.memory_space<vmem>>[vector<16xi32>], vector<16xi32>,
        %mul3A_134 = arith.constant 8 : i32
        %mul3A_135 = arith.muli %scan3A_108, %mul3A_134 : i32
        %add3A_136 = arith.constant 1 : i32
        %add3A_137 = arith.addi %mul3A_135, %add3A_136 : i32
        %mul3A_138 = arith.constant 16 : i32
        %mul3A_139 = arith.muli %add3A_137, %mul3A_138 : i32
        %get3A_140 = arith.index_cast %mul3A_139 : i32 to index
        %get3A_141 = tpu.vector_load %arg11[%get3A_140] {strides = array<i32>} : memref<6400xi32, #tpu.memory_space<vmem>>, vector<16xi32>,
        %mul3A_142 = arith.constant 16 : i32
        %mul3A_143 = arith.muli %add3A_137, %mul3A_142 : i32
        %get3A_144 = arith.index_cast %mul3A_143 : i32 to index
        %get3A_145 = tpu.vector_load %arg12[%get3A_144] {strides = array<i32>} : memref<6400xi32, #tpu.memory_space<vmem>>, vector<16xi32>,
        %broadcast_in_dim3A_146 = arith.constant true
        %broadcast_in_dim3A_147 = vector.broadcast %broadcast_in_dim3A_146 : i1 to vector<16xi1>
        %unique3A_148, %unique3A_149 = tpu.scan_count mask(%broadcast_in_dim3A_147 : vector<16xi1>) value(%get3A_141 : vector<16xi32>) : vector<16xi1>, vector<16xi32>
        %eq3A_150 = arith.constant 1 : i32
        %eq3A_151 = vector.broadcast %eq3A_150 : i32 to vector<16xi32>
        %eq3A_152 = arith.cmpi eq, %unique3A_149, %eq3A_151 : vector<16xi32>
        %add3A_153 = arith.constant 0 : i32
        %add3A_154 = vector.broadcast %add3A_153 : i32 to vector<16xi32>
        %add3A_155 = arith.addi %get3A_145, %add3A_154 : vector<16xi32>
        %gather3A_156 = tpu.vector_load_idx %arg6[%add3A_155] : memref<20000xi32, #tpu.memory_space<vmem>>[vector<16xi32>], vector<16xi32>,
        %add3A_157 = arith.constant 10000 : i32
        %add3A_158 = vector.broadcast %add3A_157 : i32 to vector<16xi32>
        %add3A_159 = arith.addi %get3A_145, %add3A_158 : vector<16xi32>
        %gather3A_160 = tpu.vector_load_idx %arg6[%add3A_159] : memref<20000xi32, #tpu.memory_space<vmem>>[vector<16xi32>], vector<16xi32>,
        %mul3A_161 = arith.constant 8 : i32
        %mul3A_162 = arith.muli %scan3A_108, %mul3A_161 : i32
        %add3A_163 = arith.constant 2 : i32
        %add3A_164 = arith.addi %mul3A_162, %add3A_163 : i32
        %mul3A_165 = arith.constant 16 : i32
        %mul3A_166 = arith.muli %add3A_164, %mul3A_165 : i32
        %get3A_167 = arith.index_cast %mul3A_166 : i32 to index
        %get3A_168 = tpu.vector_load %arg11[%get3A_167] {strides = array<i32>} : memref<6400xi32, #tpu.memory_space<vmem>>, vector<16xi32>,
        %mul3A_169 = arith.constant 16 : i32
        %mul3A_170 = arith.muli %add3A_164, %mul3A_169 : i32
        %get3A_171 = arith.index_cast %mul3A_170 : i32 to index
        %get3A_172 = tpu.vector_load %arg12[%get3A_171] {strides = array<i32>} : memref<6400xi32, #tpu.memory_space<vmem>>, vector<16xi32>,
        %broadcast_in_dim3A_173 = arith.constant true
        %broadcast_in_dim3A_174 = vector.broadcast %broadcast_in_dim3A_173 : i1 to vector<16xi1>
        %unique3A_175, %unique3A_176 = tpu.scan_count mask(%broadcast_in_dim3A_174 : vector<16xi1>) value(%get3A_168 : vector<16xi32>) : vector<16xi1>, vector<16xi32>
        %eq3A_177 = arith.constant 1 : i32
        %eq3A_178 = vector.broadcast %eq3A_177 : i32 to vector<16xi32>
        %eq3A_179 = arith.cmpi eq, %unique3A_176, %eq3A_178 : vector<16xi32>
        %add3A_180 = arith.constant 0 : i32
        %add3A_181 = vector.broadcast %add3A_180 : i32 to vector<16xi32>
        %add3A_182 = arith.addi %get3A_172, %add3A_181 : vector<16xi32>
        %gather3A_183 = tpu.vector_load_idx %arg6[%add3A_182] : memref<20000xi32, #tpu.memory_space<vmem>>[vector<16xi32>], vector<16xi32>,
        %add3A_184 = arith.constant 10000 : i32
        %add3A_185 = vector.broadcast %add3A_184 : i32 to vector<16xi32>
        %add3A_186 = arith.addi %get3A_172, %add3A_185 : vector<16xi32>
        %gather3A_187 = tpu.vector_load_idx %arg6[%add3A_186] : memref<20000xi32, #tpu.memory_space<vmem>>[vector<16xi32>], vector<16xi32>,
        %mul3A_188 = arith.constant 8 : i32
        %mul3A_189 = arith.muli %scan3A_108, %mul3A_188 : i32
        %add3A_190 = arith.constant 3 : i32
        %add3A_191 = arith.addi %mul3A_189, %add3A_190 : i32
        %mul3A_192 = arith.constant 16 : i32
        %mul3A_193 = arith.muli %add3A_191, %mul3A_192 : i32
        %get3A_194 = arith.index_cast %mul3A_193 : i32 to index
        %get3A_195 = tpu.vector_load %arg11[%get3A_194] {strides = array<i32>} : memref<6400xi32, #tpu.memory_space<vmem>>, vector<16xi32>,
        %mul3A_196 = arith.constant 16 : i32
        %mul3A_197 = arith.muli %add3A_191, %mul3A_196 : i32
        %get3A_198 = arith.index_cast %mul3A_197 : i32 to index
        %get3A_199 = tpu.vector_load %arg12[%get3A_198] {strides = array<i32>} : memref<6400xi32, #tpu.memory_space<vmem>>, vector<16xi32>,
        %broadcast_in_dim3A_200 = arith.constant true
        %broadcast_in_dim3A_201 = vector.broadcast %broadcast_in_dim3A_200 : i1 to vector<16xi1>
        %unique3A_202, %unique3A_203 = tpu.scan_count mask(%broadcast_in_dim3A_201 : vector<16xi1>) value(%get3A_195 : vector<16xi32>) : vector<16xi1>, vector<16xi32>
        %eq3A_204 = arith.constant 1 : i32
        %eq3A_205 = vector.broadcast %eq3A_204 : i32 to vector<16xi32>
        %eq3A_206 = arith.cmpi eq, %unique3A_203, %eq3A_205 : vector<16xi32>
        %add3A_207 = arith.constant 0 : i32
        %add3A_208 = vector.broadcast %add3A_207 : i32 to vector<16xi32>
        %add3A_209 = arith.addi %get3A_199, %add3A_208 : vector<16xi32>
        %gather3A_210 = tpu.vector_load_idx %arg6[%add3A_209] : memref<20000xi32, #tpu.memory_space<vmem>>[vector<16xi32>], vector<16xi32>,
        %add3A_211 = arith.constant 10000 : i32
        %add3A_212 = vector.broadcast %add3A_211 : i32 to vector<16xi32>
        %add3A_213 = arith.addi %get3A_199, %add3A_212 : vector<16xi32>
        %gather3A_214 = tpu.vector_load_idx %arg6[%add3A_213] : memref<20000xi32, #tpu.memory_space<vmem>>[vector<16xi32>], vector<16xi32>,
        %mul3A_215 = arith.constant 8 : i32
        %mul3A_216 = arith.muli %scan3A_108, %mul3A_215 : i32
        %add3A_217 = arith.constant 4 : i32
        %add3A_218 = arith.addi %mul3A_216, %add3A_217 : i32
        %mul3A_219 = arith.constant 16 : i32
        %mul3A_220 = arith.muli %add3A_218, %mul3A_219 : i32
        %get3A_221 = arith.index_cast %mul3A_220 : i32 to index
        %get3A_222 = tpu.vector_load %arg11[%get3A_221] {strides = array<i32>} : memref<6400xi32, #tpu.memory_space<vmem>>, vector<16xi32>,
        %mul3A_223 = arith.constant 16 : i32
        %mul3A_224 = arith.muli %add3A_218, %mul3A_223 : i32
        %get3A_225 = arith.index_cast %mul3A_224 : i32 to index
        %get3A_226 = tpu.vector_load %arg12[%get3A_225] {strides = array<i32>} : memref<6400xi32, #tpu.memory_space<vmem>>, vector<16xi32>,
        %broadcast_in_dim3A_227 = arith.constant true
        %broadcast_in_dim3A_228 = vector.broadcast %broadcast_in_dim3A_227 : i1 to vector<16xi1>
        %unique3A_229, %unique3A_230 = tpu.scan_count mask(%broadcast_in_dim3A_228 : vector<16xi1>) value(%get3A_222 : vector<16xi32>) : vector<16xi1>, vector<16xi32>
        %eq3A_231 = arith.constant 1 : i32
        %eq3A_232 = vector.broadcast %eq3A_231 : i32 to vector<16xi32>
        %eq3A_233 = arith.cmpi eq, %unique3A_230, %eq3A_232 : vector<16xi32>
        %add3A_234 = arith.constant 0 : i32
        %add3A_235 = vector.broadcast %add3A_234 : i32 to vector<16xi32>
        %add3A_236 = arith.addi %get3A_226, %add3A_235 : vector<16xi32>
        %gather3A_237 = tpu.vector_load_idx %arg6[%add3A_236] : memref<20000xi32, #tpu.memory_space<vmem>>[vector<16xi32>], vector<16xi32>,
        %add3A_238 = arith.constant 10000 : i32
        %add3A_239 = vector.broadcast %add3A_238 : i32 to vector<16xi32>
        %add3A_240 = arith.addi %get3A_226, %add3A_239 : vector<16xi32>
        %gather3A_241 = tpu.vector_load_idx %arg6[%add3A_240] : memref<20000xi32, #tpu.memory_space<vmem>>[vector<16xi32>], vector<16xi32>,
        %mul3A_242 = arith.constant 8 : i32
        %mul3A_243 = arith.muli %scan3A_108, %mul3A_242 : i32
        %add3A_244 = arith.constant 5 : i32
        %add3A_245 = arith.addi %mul3A_243, %add3A_244 : i32
        %mul3A_246 = arith.constant 16 : i32
        %mul3A_247 = arith.muli %add3A_245, %mul3A_246 : i32
        %get3A_248 = arith.index_cast %mul3A_247 : i32 to index
        %get3A_249 = tpu.vector_load %arg11[%get3A_248] {strides = array<i32>} : memref<6400xi32, #tpu.memory_space<vmem>>, vector<16xi32>,
        %mul3A_250 = arith.constant 16 : i32
        %mul3A_251 = arith.muli %add3A_245, %mul3A_250 : i32
        %get3A_252 = arith.index_cast %mul3A_251 : i32 to index
        %get3A_253 = tpu.vector_load %arg12[%get3A_252] {strides = array<i32>} : memref<6400xi32, #tpu.memory_space<vmem>>, vector<16xi32>,
        %broadcast_in_dim3A_254 = arith.constant true
        %broadcast_in_dim3A_255 = vector.broadcast %broadcast_in_dim3A_254 : i1 to vector<16xi1>
        %unique3A_256, %unique3A_257 = tpu.scan_count mask(%broadcast_in_dim3A_255 : vector<16xi1>) value(%get3A_249 : vector<16xi32>) : vector<16xi1>, vector<16xi32>
        %eq3A_258 = arith.constant 1 : i32
        %eq3A_259 = vector.broadcast %eq3A_258 : i32 to vector<16xi32>
        %eq3A_260 = arith.cmpi eq, %unique3A_257, %eq3A_259 : vector<16xi32>
        %add3A_261 = arith.constant 0 : i32
        %add3A_262 = vector.broadcast %add3A_261 : i32 to vector<16xi32>
        %add3A_263 = arith.addi %get3A_253, %add3A_262 : vector<16xi32>
        %gather3A_264 = tpu.vector_load_idx %arg6[%add3A_263] : memref<20000xi32, #tpu.memory_space<vmem>>[vector<16xi32>], vector<16xi32>,
        %add3A_265 = arith.constant 10000 : i32
        %add3A_266 = vector.broadcast %add3A_265 : i32 to vector<16xi32>
        %add3A_267 = arith.addi %get3A_253, %add3A_266 : vector<16xi32>
        %gather3A_268 = tpu.vector_load_idx %arg6[%add3A_267] : memref<20000xi32, #tpu.memory_space<vmem>>[vector<16xi32>], vector<16xi32>,
        %mul3A_269 = arith.constant 8 : i32
        %mul3A_270 = arith.muli %scan3A_108, %mul3A_269 : i32
        %add3A_271 = arith.constant 6 : i32
        %add3A_272 = arith.addi %mul3A_270, %add3A_271 : i32
        %mul3A_273 = arith.constant 16 : i32
        %mul3A_274 = arith.muli %add3A_272, %mul3A_273 : i32
        %get3A_275 = arith.index_cast %mul3A_274 : i32 to index
        %get3A_276 = tpu.vector_load %arg11[%get3A_275] {strides = array<i32>} : memref<6400xi32, #tpu.memory_space<vmem>>, vector<16xi32>,
        %mul3A_277 = arith.constant 16 : i32
        %mul3A_278 = arith.muli %add3A_272, %mul3A_277 : i32
        %get3A_279 = arith.index_cast %mul3A_278 : i32 to index
        %get3A_280 = tpu.vector_load %arg12[%get3A_279] {strides = array<i32>} : memref<6400xi32, #tpu.memory_space<vmem>>, vector<16xi32>,
        %broadcast_in_dim3A_281 = arith.constant true
        %broadcast_in_dim3A_282 = vector.broadcast %broadcast_in_dim3A_281 : i1 to vector<16xi1>
        %unique3A_283, %unique3A_284 = tpu.scan_count mask(%broadcast_in_dim3A_282 : vector<16xi1>) value(%get3A_276 : vector<16xi32>) : vector<16xi1>, vector<16xi32>
        %eq3A_285 = arith.constant 1 : i32
        %eq3A_286 = vector.broadcast %eq3A_285 : i32 to vector<16xi32>
        %eq3A_287 = arith.cmpi eq, %unique3A_284, %eq3A_286 : vector<16xi32>
        %add3A_288 = arith.constant 0 : i32
        %add3A_289 = vector.broadcast %add3A_288 : i32 to vector<16xi32>
        %add3A_290 = arith.addi %get3A_280, %add3A_289 : vector<16xi32>
        %gather3A_291 = tpu.vector_load_idx %arg6[%add3A_290] : memref<20000xi32, #tpu.memory_space<vmem>>[vector<16xi32>], vector<16xi32>,
        %add3A_292 = arith.constant 10000 : i32
        %add3A_293 = vector.broadcast %add3A_292 : i32 to vector<16xi32>
        %add3A_294 = arith.addi %get3A_280, %add3A_293 : vector<16xi32>
        %gather3A_295 = tpu.vector_load_idx %arg6[%add3A_294] : memref<20000xi32, #tpu.memory_space<vmem>>[vector<16xi32>], vector<16xi32>,
        %mul3A_296 = arith.constant 8 : i32
        %mul3A_297 = arith.muli %scan3A_108, %mul3A_296 : i32
        %add3A_298 = arith.constant 7 : i32
        %add3A_299 = arith.addi %mul3A_297, %add3A_298 : i32
        %mul3A_300 = arith.constant 16 : i32
        %mul3A_301 = arith.muli %add3A_299, %mul3A_300 : i32
        %get3A_302 = arith.index_cast %mul3A_301 : i32 to index
        %get3A_303 = tpu.vector_load %arg11[%get3A_302] {strides = array<i32>} : memref<6400xi32, #tpu.memory_space<vmem>>, vector<16xi32>,
        %mul3A_304 = arith.constant 16 : i32
        %mul3A_305 = arith.muli %add3A_299, %mul3A_304 : i32
        %get3A_306 = arith.index_cast %mul3A_305 : i32 to index
        %get3A_307 = tpu.vector_load %arg12[%get3A_306] {strides = array<i32>} : memref<6400xi32, #tpu.memory_space<vmem>>, vector<16xi32>,
        %broadcast_in_dim3A_308 = arith.constant true
        %broadcast_in_dim3A_309 = vector.broadcast %broadcast_in_dim3A_308 : i1 to vector<16xi1>
        %unique3A_310, %unique3A_311 = tpu.scan_count mask(%broadcast_in_dim3A_309 : vector<16xi1>) value(%get3A_303 : vector<16xi32>) : vector<16xi1>, vector<16xi32>
        %eq3A_312 = arith.constant 1 : i32
        %eq3A_313 = vector.broadcast %eq3A_312 : i32 to vector<16xi32>
        %eq3A_314 = arith.cmpi eq, %unique3A_311, %eq3A_313 : vector<16xi32>
        %add3A_315 = arith.constant 0 : i32
        %add3A_316 = vector.broadcast %add3A_315 : i32 to vector<16xi32>
        %add3A_317 = arith.addi %get3A_307, %add3A_316 : vector<16xi32>
        %gather3A_318 = tpu.vector_load_idx %arg6[%add3A_317] : memref<20000xi32, #tpu.memory_space<vmem>>[vector<16xi32>], vector<16xi32>,
        %add3A_319 = arith.constant 10000 : i32
        %add3A_320 = vector.broadcast %add3A_319 : i32 to vector<16xi32>
        %add3A_321 = arith.addi %get3A_307, %add3A_320 : vector<16xi32>
        %gather3A_322 = tpu.vector_load_idx %arg6[%add3A_321] : memref<20000xi32, #tpu.memory_space<vmem>>[vector<16xi32>], vector<16xi32>,
        %gather3A_323 = tpu.vector_load_idx %arg7[%get3A_116] : memref<10000xi32, #tpu.memory_space<vmem>>[vector<16xi32>], vector<16xi32>,
        %gather3A_324 = tpu.vector_load_idx %arg8[%get3A_116] : memref<10000xi32, #tpu.memory_space<vmem>>[vector<16xi32>], vector<16xi32>,
        %bitcast3A = vector.bitcast %gather3A_323 : vector<16xi32> to vector<32xbf16>
        %bitcast3A_325 = vector.bitcast %gather3A : vector<16xi32> to vector<32xbf16>
        %min3A = arith.minimumf %bitcast3A, %bitcast3A_325 : vector<32xbf16>
        %bitcast3A_326 = vector.bitcast %min3A : vector<32xbf16> to vector<16xi32>
        tpu.vector_store_idx %arg7[%get3A_116], %bitcast3A_326 masked %eq3A_126 : memref<10000xi32, #tpu.memory_space<vmem>>[vector<16xi32>], vector<16xi32>, vector<16xi1>
        %bitcast3A_327 = vector.bitcast %gather3A_324 : vector<16xi32> to vector<32xbf16>
        %bitcast3A_328 = vector.bitcast %gather3A_133 : vector<16xi32> to vector<32xbf16>
        %min3A_329 = arith.minimumf %bitcast3A_327, %bitcast3A_328 : vector<32xbf16>
        %bitcast3A_330 = vector.bitcast %min3A_329 : vector<32xbf16> to vector<16xi32>
        tpu.vector_store_idx %arg8[%get3A_116], %bitcast3A_330 masked %eq3A_126 : memref<10000xi32, #tpu.memory_space<vmem>>[vector<16xi32>], vector<16xi32>, vector<16xi1>
        %gather3A_331 = tpu.vector_load_idx %arg9[%get3A_141] : memref<10000xi32, #tpu.memory_space<vmem>>[vector<16xi32>], vector<16xi32>,
        %gather3A_332 = tpu.vector_load_idx %arg10[%get3A_141] : memref<10000xi32, #tpu.memory_space<vmem>>[vector<16xi32>], vector<16xi32>,
        %bitcast3A_333 = vector.bitcast %gather3A_331 : vector<16xi32> to vector<32xbf16>
        %bitcast3A_334 = vector.bitcast %gather3A_156 : vector<16xi32> to vector<32xbf16>
        %min3A_335 = arith.minimumf %bitcast3A_333, %bitcast3A_334 : vector<32xbf16>
        %bitcast3A_336 = vector.bitcast %min3A_335 : vector<32xbf16> to vector<16xi32>
        tpu.vector_store_idx %arg9[%get3A_141], %bitcast3A_336 masked %eq3A_152 : memref<10000xi32, #tpu.memory_space<vmem>>[vector<16xi32>], vector<16xi32>, vector<16xi1>
        %bitcast3A_337 = vector.bitcast %gather3A_332 : vector<16xi32> to vector<32xbf16>
        %bitcast3A_338 = vector.bitcast %gather3A_160 : vector<16xi32> to vector<32xbf16>
        %min3A_339 = arith.minimumf %bitcast3A_337, %bitcast3A_338 : vector<32xbf16>
        %bitcast3A_340 = vector.bitcast %min3A_339 : vector<32xbf16> to vector<16xi32>
        tpu.vector_store_idx %arg10[%get3A_141], %bitcast3A_340 masked %eq3A_152 : memref<10000xi32, #tpu.memory_space<vmem>>[vector<16xi32>], vector<16xi32>, vector<16xi1>
        %gather3A_341 = tpu.vector_load_idx %arg7[%get3A_168] : memref<10000xi32, #tpu.memory_space<vmem>>[vector<16xi32>], vector<16xi32>,
        %gather3A_342 = tpu.vector_load_idx %arg8[%get3A_168] : memref<10000xi32, #tpu.memory_space<vmem>>[vector<16xi32>], vector<16xi32>,
        %bitcast3A_343 = vector.bitcast %gather3A_341 : vector<16xi32> to vector<32xbf16>
        %bitcast3A_344 = vector.bitcast %gather3A_183 : vector<16xi32> to vector<32xbf16>
        %min3A_345 = arith.minimumf %bitcast3A_343, %bitcast3A_344 : vector<32xbf16>
        %bitcast3A_346 = vector.bitcast %min3A_345 : vector<32xbf16> to vector<16xi32>
        tpu.vector_store_idx %arg7[%get3A_168], %bitcast3A_346 masked %eq3A_179 : memref<10000xi32, #tpu.memory_space<vmem>>[vector<16xi32>], vector<16xi32>, vector<16xi1>
        %bitcast3A_347 = vector.bitcast %gather3A_342 : vector<16xi32> to vector<32xbf16>
        %bitcast3A_348 = vector.bitcast %gather3A_187 : vector<16xi32> to vector<32xbf16>
        %min3A_349 = arith.minimumf %bitcast3A_347, %bitcast3A_348 : vector<32xbf16>
        %bitcast3A_350 = vector.bitcast %min3A_349 : vector<32xbf16> to vector<16xi32>
        tpu.vector_store_idx %arg8[%get3A_168], %bitcast3A_350 masked %eq3A_179 : memref<10000xi32, #tpu.memory_space<vmem>>[vector<16xi32>], vector<16xi32>, vector<16xi1>
        %gather3A_351 = tpu.vector_load_idx %arg9[%get3A_195] : memref<10000xi32, #tpu.memory_space<vmem>>[vector<16xi32>], vector<16xi32>,
        %gather3A_352 = tpu.vector_load_idx %arg10[%get3A_195] : memref<10000xi32, #tpu.memory_space<vmem>>[vector<16xi32>], vector<16xi32>,
        %bitcast3A_353 = vector.bitcast %gather3A_351 : vector<16xi32> to vector<32xbf16>
        %bitcast3A_354 = vector.bitcast %gather3A_210 : vector<16xi32> to vector<32xbf16>
        %min3A_355 = arith.minimumf %bitcast3A_353, %bitcast3A_354 : vector<32xbf16>
        %bitcast3A_356 = vector.bitcast %min3A_355 : vector<32xbf16> to vector<16xi32>
        tpu.vector_store_idx %arg9[%get3A_195], %bitcast3A_356 masked %eq3A_206 : memref<10000xi32, #tpu.memory_space<vmem>>[vector<16xi32>], vector<16xi32>, vector<16xi1>
        %bitcast3A_357 = vector.bitcast %gather3A_352 : vector<16xi32> to vector<32xbf16>
        %bitcast3A_358 = vector.bitcast %gather3A_214 : vector<16xi32> to vector<32xbf16>
        %min3A_359 = arith.minimumf %bitcast3A_357, %bitcast3A_358 : vector<32xbf16>
        %bitcast3A_360 = vector.bitcast %min3A_359 : vector<32xbf16> to vector<16xi32>
        tpu.vector_store_idx %arg10[%get3A_195], %bitcast3A_360 masked %eq3A_206 : memref<10000xi32, #tpu.memory_space<vmem>>[vector<16xi32>], vector<16xi32>, vector<16xi1>
        %gather3A_361 = tpu.vector_load_idx %arg7[%get3A_222] : memref<10000xi32, #tpu.memory_space<vmem>>[vector<16xi32>], vector<16xi32>,
        %gather3A_362 = tpu.vector_load_idx %arg8[%get3A_222] : memref<10000xi32, #tpu.memory_space<vmem>>[vector<16xi32>], vector<16xi32>,
        %bitcast3A_363 = vector.bitcast %gather3A_361 : vector<16xi32> to vector<32xbf16>
        %bitcast3A_364 = vector.bitcast %gather3A_237 : vector<16xi32> to vector<32xbf16>
        %min3A_365 = arith.minimumf %bitcast3A_363, %bitcast3A_364 : vector<32xbf16>
        %bitcast3A_366 = vector.bitcast %min3A_365 : vector<32xbf16> to vector<16xi32>
        tpu.vector_store_idx %arg7[%get3A_222], %bitcast3A_366 masked %eq3A_233 : memref<10000xi32, #tpu.memory_space<vmem>>[vector<16xi32>], vector<16xi32>, vector<16xi1>
        %bitcast3A_367 = vector.bitcast %gather3A_362 : vector<16xi32> to vector<32xbf16>
        %bitcast3A_368 = vector.bitcast %gather3A_241 : vector<16xi32> to vector<32xbf16>
        %min3A_369 = arith.minimumf %bitcast3A_367, %bitcast3A_368 : vector<32xbf16>
        %bitcast3A_370 = vector.bitcast %min3A_369 : vector<32xbf16> to vector<16xi32>
        tpu.vector_store_idx %arg8[%get3A_222], %bitcast3A_370 masked %eq3A_233 : memref<10000xi32, #tpu.memory_space<vmem>>[vector<16xi32>], vector<16xi32>, vector<16xi1>
        %gather3A_371 = tpu.vector_load_idx %arg9[%get3A_249] : memref<10000xi32, #tpu.memory_space<vmem>>[vector<16xi32>], vector<16xi32>,
        %gather3A_372 = tpu.vector_load_idx %arg10[%get3A_249] : memref<10000xi32, #tpu.memory_space<vmem>>[vector<16xi32>], vector<16xi32>,
        %bitcast3A_373 = vector.bitcast %gather3A_371 : vector<16xi32> to vector<32xbf16>
        %bitcast3A_374 = vector.bitcast %gather3A_264 : vector<16xi32> to vector<32xbf16>
        %min3A_375 = arith.minimumf %bitcast3A_373, %bitcast3A_374 : vector<32xbf16>
        %bitcast3A_376 = vector.bitcast %min3A_375 : vector<32xbf16> to vector<16xi32>
        tpu.vector_store_idx %arg9[%get3A_249], %bitcast3A_376 masked %eq3A_260 : memref<10000xi32, #tpu.memory_space<vmem>>[vector<16xi32>], vector<16xi32>, vector<16xi1>
        %bitcast3A_377 = vector.bitcast %gather3A_372 : vector<16xi32> to vector<32xbf16>
        %bitcast3A_378 = vector.bitcast %gather3A_268 : vector<16xi32> to vector<32xbf16>
        %min3A_379 = arith.minimumf %bitcast3A_377, %bitcast3A_378 : vector<32xbf16>
        %bitcast3A_380 = vector.bitcast %min3A_379 : vector<32xbf16> to vector<16xi32>
        tpu.vector_store_idx %arg10[%get3A_249], %bitcast3A_380 masked %eq3A_260 : memref<10000xi32, #tpu.memory_space<vmem>>[vector<16xi32>], vector<16xi32>, vector<16xi1>
        %gather3A_381 = tpu.vector_load_idx %arg7[%get3A_276] : memref<10000xi32, #tpu.memory_space<vmem>>[vector<16xi32>], vector<16xi32>,
        %gather3A_382 = tpu.vector_load_idx %arg8[%get3A_276] : memref<10000xi32, #tpu.memory_space<vmem>>[vector<16xi32>], vector<16xi32>,
        %bitcast3A_383 = vector.bitcast %gather3A_381 : vector<16xi32> to vector<32xbf16>
        %bitcast3A_384 = vector.bitcast %gather3A_291 : vector<16xi32> to vector<32xbf16>
        %min3A_385 = arith.minimumf %bitcast3A_383, %bitcast3A_384 : vector<32xbf16>
        %bitcast3A_386 = vector.bitcast %min3A_385 : vector<32xbf16> to vector<16xi32>
        tpu.vector_store_idx %arg7[%get3A_276], %bitcast3A_386 masked %eq3A_287 : memref<10000xi32, #tpu.memory_space<vmem>>[vector<16xi32>], vector<16xi32>, vector<16xi1>
        %bitcast3A_387 = vector.bitcast %gather3A_382 : vector<16xi32> to vector<32xbf16>
        %bitcast3A_388 = vector.bitcast %gather3A_295 : vector<16xi32> to vector<32xbf16>
        %min3A_389 = arith.minimumf %bitcast3A_387, %bitcast3A_388 : vector<32xbf16>
        %bitcast3A_390 = vector.bitcast %min3A_389 : vector<32xbf16> to vector<16xi32>
        tpu.vector_store_idx %arg8[%get3A_276], %bitcast3A_390 masked %eq3A_287 : memref<10000xi32, #tpu.memory_space<vmem>>[vector<16xi32>], vector<16xi32>, vector<16xi1>
        %gather3A_391 = tpu.vector_load_idx %arg9[%get3A_303] : memref<10000xi32, #tpu.memory_space<vmem>>[vector<16xi32>], vector<16xi32>,
        %gather3A_392 = tpu.vector_load_idx %arg10[%get3A_303] : memref<10000xi32, #tpu.memory_space<vmem>>[vector<16xi32>], vector<16xi32>,
        %bitcast3A_393 = vector.bitcast %gather3A_391 : vector<16xi32> to vector<32xbf16>
        %bitcast3A_394 = vector.bitcast %gather3A_318 : vector<16xi32> to vector<32xbf16>
        %min3A_395 = arith.minimumf %bitcast3A_393, %bitcast3A_394 : vector<32xbf16>
        %bitcast3A_396 = vector.bitcast %min3A_395 : vector<32xbf16> to vector<16xi32>
        tpu.vector_store_idx %arg9[%get3A_303], %bitcast3A_396 masked %eq3A_314 : memref<10000xi32, #tpu.memory_space<vmem>>[vector<16xi32>], vector<16xi32>, vector<16xi1>
        %bitcast3A_397 = vector.bitcast %gather3A_392 : vector<16xi32> to vector<32xbf16>
        %bitcast3A_398 = vector.bitcast %gather3A_322 : vector<16xi32> to vector<32xbf16>
        %min3A_399 = arith.minimumf %bitcast3A_397, %bitcast3A_398 : vector<32xbf16>
        %bitcast3A_400 = vector.bitcast %min3A_399 : vector<32xbf16> to vector<16xi32>
        tpu.vector_store_idx %arg10[%get3A_303], %bitcast3A_400 masked %eq3A_314 : memref<10000xi32, #tpu.memory_space<vmem>>[vector<16xi32>], vector<16xi32>, vector<16xi1>
        %and3A_401 = arith.andi %eq3A_126, %eq3A_152 : vector<16xi1>
        %and3A_402 = arith.andi %and3A_401, %eq3A_179 : vector<16xi1>
        %and3A_403 = arith.andi %and3A_402, %eq3A_206 : vector<16xi1>
        %and3A_404 = arith.andi %and3A_403, %eq3A_233 : vector<16xi1>
        %and3A_405 = arith.andi %and3A_404, %eq3A_260 : vector<16xi1>
        %and3A_406 = arith.andi %and3A_405, %eq3A_287 : vector<16xi1>
        %and3A_407 = arith.andi %and3A_406, %eq3A_314 : vector<16xi1>
        %reduce_and3A = arith.constant 1.000000e+00 : f32
        %reduce_and3A_408 = arith.constant 0.000000e+00 : f32
        %reduce_and3A_409 = vector.broadcast %reduce_and3A : f32 to vector<16xf32>
        %reduce_and3A_410 = vector.broadcast %reduce_and3A_408 : f32 to vector<16xf32>
        %reduce_and3A_411 = arith.select %and3A_407, %reduce_and3A_409, %reduce_and3A_410 : vector<16xi1>, vector<16xf32>
        %reduce_and3A_412 = arith.constant true
        %reduce_and3A_413 = vector.broadcast %reduce_and3A_412 : i1 to vector<16xi1>
        %reduce_and3A_414 = tpu.scan <min>, %reduce_and3A_411 masked %reduce_and3A_413 : vector<16xf32>, vector<16xi1> -> vector<16xf32>
        %reduce_and3A_415 = vector.extract %reduce_and3A_414[15] : f32 from vector<16xf32>
        %reduce_and3A_416 = arith.constant 0.000000e+00 : f32
        %reduce_and3A_417 = arith.cmpf ogt, %reduce_and3A_415, %reduce_and3A_416 : f32
        %not3A = arith.constant true
        %not3A_418 = arith.xori %reduce_and3A_417, %not3A : i1
        %convert_element_type3A = arith.extui %not3A_418 : i1 to i32
        %cond3A = arith.constant 0 : i32
        %cond3A_419 = arith.cmpi ne, %convert_element_type3A, %cond3A : i32
        scf.if %cond3A_419 {
          %not3A_421 = arith.constant dense<true> : vector<16xi1>
          %not3A_422 = arith.xori %eq3A_126, %not3A_421 : vector<16xi1>
          %while3A = scf.while (%while3A_444 = %not3A_422) : (vector<16xi1>) -> vector<16xi1> {
            %reduce_or3A = arith.constant 1.000000e+00 : f32
            %reduce_or3A_445 = arith.constant 0.000000e+00 : f32
            %reduce_or3A_446 = vector.broadcast %reduce_or3A : f32 to vector<16xf32>
            %reduce_or3A_447 = vector.broadcast %reduce_or3A_445 : f32 to vector<16xf32>
            %reduce_or3A_448 = arith.select %while3A_444, %reduce_or3A_446, %reduce_or3A_447 : vector<16xi1>, vector<16xf32>
            %reduce_or3A_449 = arith.constant true
            %reduce_or3A_450 = vector.broadcast %reduce_or3A_449 : i1 to vector<16xi1>
            %reduce_or3A_451 = tpu.scan <max>, %reduce_or3A_448 masked %reduce_or3A_450 : vector<16xf32>, vector<16xi1> -> vector<16xf32>
            %reduce_or3A_452 = vector.extract %reduce_or3A_451[15] : f32 from vector<16xf32>
            %reduce_or3A_453 = arith.constant 0.000000e+00 : f32
            %reduce_or3A_454 = arith.cmpf ogt, %reduce_or3A_452, %reduce_or3A_453 : f32
            scf.condition(%reduce_or3A_454) %while3A_444 : vector<16xi1>
          } do {
          ^bb0(%while3A_444: vector<16xi1>):
            %unique3A_445, %unique3A_446 = tpu.scan_count mask(%while3A_444 : vector<16xi1>) value(%get3A_116 : vector<16xi32>) : vector<16xi1>, vector<16xi32>
            %eq3A_447 = arith.constant 1 : i32
            %eq3A_448 = vector.broadcast %eq3A_447 : i32 to vector<16xi32>
            %eq3A_449 = arith.cmpi eq, %unique3A_446, %eq3A_448 : vector<16xi32>
            %and3A_450 = arith.andi %while3A_444, %eq3A_449 : vector<16xi1>
            %gather3A_451 = tpu.vector_load_idx %arg7[%get3A_116] masked %and3A_450 : memref<10000xi32, #tpu.memory_space<vmem>>[vector<16xi32>], vector<16xi32>, vector<16xi1>
            %bitcast3A_452 = vector.bitcast %gather3A_451 : vector<16xi32> to vector<32xbf16>
            %bitcast3A_453 = vector.bitcast %gather3A : vector<16xi32> to vector<32xbf16>
            %min3A_454 = arith.minimumf %bitcast3A_452, %bitcast3A_453 : vector<32xbf16>
            %bitcast3A_455 = vector.bitcast %min3A_454 : vector<32xbf16> to vector<16xi32>
            tpu.vector_store_idx %arg7[%get3A_116], %bitcast3A_455 masked %and3A_450 : memref<10000xi32, #tpu.memory_space<vmem>>[vector<16xi32>], vector<16xi32>, vector<16xi1>
            %gather3A_456 = tpu.vector_load_idx %arg8[%get3A_116] masked %and3A_450 : memref<10000xi32, #tpu.memory_space<vmem>>[vector<16xi32>], vector<16xi32>, vector<16xi1>
            %bitcast3A_457 = vector.bitcast %gather3A_456 : vector<16xi32> to vector<32xbf16>
            %bitcast3A_458 = vector.bitcast %gather3A_133 : vector<16xi32> to vector<32xbf16>
            %min3A_459 = arith.minimumf %bitcast3A_457, %bitcast3A_458 : vector<32xbf16>
            %bitcast3A_460 = vector.bitcast %min3A_459 : vector<32xbf16> to vector<16xi32>
            tpu.vector_store_idx %arg8[%get3A_116], %bitcast3A_460 masked %and3A_450 : memref<10000xi32, #tpu.memory_space<vmem>>[vector<16xi32>], vector<16xi32>, vector<16xi1>
            %not3A_461 = arith.constant dense<true> : vector<16xi1>
            %not3A_462 = arith.xori %and3A_450, %not3A_461 : vector<16xi1>
            %and3A_463 = arith.andi %while3A_444, %not3A_462 : vector<16xi1>
            scf.yield %and3A_463 : vector<16xi1>
          }
          %not3A_423 = arith.constant dense<true> : vector<16xi1>
          %not3A_424 = arith.xori %eq3A_152, %not3A_423 : vector<16xi1>
          %while3A_425 = scf.while (%while3A_444 = %not3A_424) : (vector<16xi1>) -> vector<16xi1> {
            %reduce_or3A = arith.constant 1.000000e+00 : f32
            %reduce_or3A_445 = arith.constant 0.000000e+00 : f32
            %reduce_or3A_446 = vector.broadcast %reduce_or3A : f32 to vector<16xf32>
            %reduce_or3A_447 = vector.broadcast %reduce_or3A_445 : f32 to vector<16xf32>
            %reduce_or3A_448 = arith.select %while3A_444, %reduce_or3A_446, %reduce_or3A_447 : vector<16xi1>, vector<16xf32>
            %reduce_or3A_449 = arith.constant true
            %reduce_or3A_450 = vector.broadcast %reduce_or3A_449 : i1 to vector<16xi1>
            %reduce_or3A_451 = tpu.scan <max>, %reduce_or3A_448 masked %reduce_or3A_450 : vector<16xf32>, vector<16xi1> -> vector<16xf32>
            %reduce_or3A_452 = vector.extract %reduce_or3A_451[15] : f32 from vector<16xf32>
            %reduce_or3A_453 = arith.constant 0.000000e+00 : f32
            %reduce_or3A_454 = arith.cmpf ogt, %reduce_or3A_452, %reduce_or3A_453 : f32
            scf.condition(%reduce_or3A_454) %while3A_444 : vector<16xi1>
          } do {
          ^bb0(%while3A_444: vector<16xi1>):
            %unique3A_445, %unique3A_446 = tpu.scan_count mask(%while3A_444 : vector<16xi1>) value(%get3A_141 : vector<16xi32>) : vector<16xi1>, vector<16xi32>
            %eq3A_447 = arith.constant 1 : i32
            %eq3A_448 = vector.broadcast %eq3A_447 : i32 to vector<16xi32>
            %eq3A_449 = arith.cmpi eq, %unique3A_446, %eq3A_448 : vector<16xi32>
            %and3A_450 = arith.andi %while3A_444, %eq3A_449 : vector<16xi1>
            %gather3A_451 = tpu.vector_load_idx %arg9[%get3A_141] masked %and3A_450 : memref<10000xi32, #tpu.memory_space<vmem>>[vector<16xi32>], vector<16xi32>, vector<16xi1>
            %bitcast3A_452 = vector.bitcast %gather3A_451 : vector<16xi32> to vector<32xbf16>
            %bitcast3A_453 = vector.bitcast %gather3A_156 : vector<16xi32> to vector<32xbf16>
            %min3A_454 = arith.minimumf %bitcast3A_452, %bitcast3A_453 : vector<32xbf16>
            %bitcast3A_455 = vector.bitcast %min3A_454 : vector<32xbf16> to vector<16xi32>
            tpu.vector_store_idx %arg9[%get3A_141], %bitcast3A_455 masked %and3A_450 : memref<10000xi32, #tpu.memory_space<vmem>>[vector<16xi32>], vector<16xi32>, vector<16xi1>
            %gather3A_456 = tpu.vector_load_idx %arg10[%get3A_141] masked %and3A_450 : memref<10000xi32, #tpu.memory_space<vmem>>[vector<16xi32>], vector<16xi32>, vector<16xi1>
            %bitcast3A_457 = vector.bitcast %gather3A_456 : vector<16xi32> to vector<32xbf16>
            %bitcast3A_458 = vector.bitcast %gather3A_160 : vector<16xi32> to vector<32xbf16>
            %min3A_459 = arith.minimumf %bitcast3A_457, %bitcast3A_458 : vector<32xbf16>
            %bitcast3A_460 = vector.bitcast %min3A_459 : vector<32xbf16> to vector<16xi32>
            tpu.vector_store_idx %arg10[%get3A_141], %bitcast3A_460 masked %and3A_450 : memref<10000xi32, #tpu.memory_space<vmem>>[vector<16xi32>], vector<16xi32>, vector<16xi1>
            %not3A_461 = arith.constant dense<true> : vector<16xi1>
            %not3A_462 = arith.xori %and3A_450, %not3A_461 : vector<16xi1>
            %and3A_463 = arith.andi %while3A_444, %not3A_462 : vector<16xi1>
            scf.yield %and3A_463 : vector<16xi1>
          }
          %not3A_426 = arith.constant dense<true> : vector<16xi1>
          %not3A_427 = arith.xori %eq3A_179, %not3A_426 : vector<16xi1>
          %while3A_428 = scf.while (%while3A_444 = %not3A_427) : (vector<16xi1>) -> vector<16xi1> {
            %reduce_or3A = arith.constant 1.000000e+00 : f32
            %reduce_or3A_445 = arith.constant 0.000000e+00 : f32
            %reduce_or3A_446 = vector.broadcast %reduce_or3A : f32 to vector<16xf32>
            %reduce_or3A_447 = vector.broadcast %reduce_or3A_445 : f32 to vector<16xf32>
            %reduce_or3A_448 = arith.select %while3A_444, %reduce_or3A_446, %reduce_or3A_447 : vector<16xi1>, vector<16xf32>
            %reduce_or3A_449 = arith.constant true
            %reduce_or3A_450 = vector.broadcast %reduce_or3A_449 : i1 to vector<16xi1>
            %reduce_or3A_451 = tpu.scan <max>, %reduce_or3A_448 masked %reduce_or3A_450 : vector<16xf32>, vector<16xi1> -> vector<16xf32>
            %reduce_or3A_452 = vector.extract %reduce_or3A_451[15] : f32 from vector<16xf32>
            %reduce_or3A_453 = arith.constant 0.000000e+00 : f32
            %reduce_or3A_454 = arith.cmpf ogt, %reduce_or3A_452, %reduce_or3A_453 : f32
            scf.condition(%reduce_or3A_454) %while3A_444 : vector<16xi1>
          } do {
          ^bb0(%while3A_444: vector<16xi1>):
            %unique3A_445, %unique3A_446 = tpu.scan_count mask(%while3A_444 : vector<16xi1>) value(%get3A_168 : vector<16xi32>) : vector<16xi1>, vector<16xi32>
            %eq3A_447 = arith.constant 1 : i32
            %eq3A_448 = vector.broadcast %eq3A_447 : i32 to vector<16xi32>
            %eq3A_449 = arith.cmpi eq, %unique3A_446, %eq3A_448 : vector<16xi32>
            %and3A_450 = arith.andi %while3A_444, %eq3A_449 : vector<16xi1>
            %gather3A_451 = tpu.vector_load_idx %arg7[%get3A_168] masked %and3A_450 : memref<10000xi32, #tpu.memory_space<vmem>>[vector<16xi32>], vector<16xi32>, vector<16xi1>
            %bitcast3A_452 = vector.bitcast %gather3A_451 : vector<16xi32> to vector<32xbf16>
            %bitcast3A_453 = vector.bitcast %gather3A_183 : vector<16xi32> to vector<32xbf16>
            %min3A_454 = arith.minimumf %bitcast3A_452, %bitcast3A_453 : vector<32xbf16>
            %bitcast3A_455 = vector.bitcast %min3A_454 : vector<32xbf16> to vector<16xi32>
            tpu.vector_store_idx %arg7[%get3A_168], %bitcast3A_455 masked %and3A_450 : memref<10000xi32, #tpu.memory_space<vmem>>[vector<16xi32>], vector<16xi32>, vector<16xi1>
            %gather3A_456 = tpu.vector_load_idx %arg8[%get3A_168] masked %and3A_450 : memref<10000xi32, #tpu.memory_space<vmem>>[vector<16xi32>], vector<16xi32>, vector<16xi1>
            %bitcast3A_457 = vector.bitcast %gather3A_456 : vector<16xi32> to vector<32xbf16>
            %bitcast3A_458 = vector.bitcast %gather3A_187 : vector<16xi32> to vector<32xbf16>
            %min3A_459 = arith.minimumf %bitcast3A_457, %bitcast3A_458 : vector<32xbf16>
            %bitcast3A_460 = vector.bitcast %min3A_459 : vector<32xbf16> to vector<16xi32>
            tpu.vector_store_idx %arg8[%get3A_168], %bitcast3A_460 masked %and3A_450 : memref<10000xi32, #tpu.memory_space<vmem>>[vector<16xi32>], vector<16xi32>, vector<16xi1>
            %not3A_461 = arith.constant dense<true> : vector<16xi1>
            %not3A_462 = arith.xori %and3A_450, %not3A_461 : vector<16xi1>
            %and3A_463 = arith.andi %while3A_444, %not3A_462 : vector<16xi1>
            scf.yield %and3A_463 : vector<16xi1>
          }
          %not3A_429 = arith.constant dense<true> : vector<16xi1>
          %not3A_430 = arith.xori %eq3A_206, %not3A_429 : vector<16xi1>
          %while3A_431 = scf.while (%while3A_444 = %not3A_430) : (vector<16xi1>) -> vector<16xi1> {
            %reduce_or3A = arith.constant 1.000000e+00 : f32
            %reduce_or3A_445 = arith.constant 0.000000e+00 : f32
            %reduce_or3A_446 = vector.broadcast %reduce_or3A : f32 to vector<16xf32>
            %reduce_or3A_447 = vector.broadcast %reduce_or3A_445 : f32 to vector<16xf32>
            %reduce_or3A_448 = arith.select %while3A_444, %reduce_or3A_446, %reduce_or3A_447 : vector<16xi1>, vector<16xf32>
            %reduce_or3A_449 = arith.constant true
            %reduce_or3A_450 = vector.broadcast %reduce_or3A_449 : i1 to vector<16xi1>
            %reduce_or3A_451 = tpu.scan <max>, %reduce_or3A_448 masked %reduce_or3A_450 : vector<16xf32>, vector<16xi1> -> vector<16xf32>
            %reduce_or3A_452 = vector.extract %reduce_or3A_451[15] : f32 from vector<16xf32>
            %reduce_or3A_453 = arith.constant 0.000000e+00 : f32
            %reduce_or3A_454 = arith.cmpf ogt, %reduce_or3A_452, %reduce_or3A_453 : f32
            scf.condition(%reduce_or3A_454) %while3A_444 : vector<16xi1>
          } do {
          ^bb0(%while3A_444: vector<16xi1>):
            %unique3A_445, %unique3A_446 = tpu.scan_count mask(%while3A_444 : vector<16xi1>) value(%get3A_195 : vector<16xi32>) : vector<16xi1>, vector<16xi32>
            %eq3A_447 = arith.constant 1 : i32
            %eq3A_448 = vector.broadcast %eq3A_447 : i32 to vector<16xi32>
            %eq3A_449 = arith.cmpi eq, %unique3A_446, %eq3A_448 : vector<16xi32>
            %and3A_450 = arith.andi %while3A_444, %eq3A_449 : vector<16xi1>
            %gather3A_451 = tpu.vector_load_idx %arg9[%get3A_195] masked %and3A_450 : memref<10000xi32, #tpu.memory_space<vmem>>[vector<16xi32>], vector<16xi32>, vector<16xi1>
            %bitcast3A_452 = vector.bitcast %gather3A_451 : vector<16xi32> to vector<32xbf16>
            %bitcast3A_453 = vector.bitcast %gather3A_210 : vector<16xi32> to vector<32xbf16>
            %min3A_454 = arith.minimumf %bitcast3A_452, %bitcast3A_453 : vector<32xbf16>
            %bitcast3A_455 = vector.bitcast %min3A_454 : vector<32xbf16> to vector<16xi32>
            tpu.vector_store_idx %arg9[%get3A_195], %bitcast3A_455 masked %and3A_450 : memref<10000xi32, #tpu.memory_space<vmem>>[vector<16xi32>], vector<16xi32>, vector<16xi1>
            %gather3A_456 = tpu.vector_load_idx %arg10[%get3A_195] masked %and3A_450 : memref<10000xi32, #tpu.memory_space<vmem>>[vector<16xi32>], vector<16xi32>, vector<16xi1>
            %bitcast3A_457 = vector.bitcast %gather3A_456 : vector<16xi32> to vector<32xbf16>
            %bitcast3A_458 = vector.bitcast %gather3A_214 : vector<16xi32> to vector<32xbf16>
            %min3A_459 = arith.minimumf %bitcast3A_457, %bitcast3A_458 : vector<32xbf16>
            %bitcast3A_460 = vector.bitcast %min3A_459 : vector<32xbf16> to vector<16xi32>
            tpu.vector_store_idx %arg10[%get3A_195], %bitcast3A_460 masked %and3A_450 : memref<10000xi32, #tpu.memory_space<vmem>>[vector<16xi32>], vector<16xi32>, vector<16xi1>
            %not3A_461 = arith.constant dense<true> : vector<16xi1>
            %not3A_462 = arith.xori %and3A_450, %not3A_461 : vector<16xi1>
            %and3A_463 = arith.andi %while3A_444, %not3A_462 : vector<16xi1>
            scf.yield %and3A_463 : vector<16xi1>
          }
          %not3A_432 = arith.constant dense<true> : vector<16xi1>
          %not3A_433 = arith.xori %eq3A_233, %not3A_432 : vector<16xi1>
          %while3A_434 = scf.while (%while3A_444 = %not3A_433) : (vector<16xi1>) -> vector<16xi1> {
            %reduce_or3A = arith.constant 1.000000e+00 : f32
            %reduce_or3A_445 = arith.constant 0.000000e+00 : f32
            %reduce_or3A_446 = vector.broadcast %reduce_or3A : f32 to vector<16xf32>
            %reduce_or3A_447 = vector.broadcast %reduce_or3A_445 : f32 to vector<16xf32>
            %reduce_or3A_448 = arith.select %while3A_444, %reduce_or3A_446, %reduce_or3A_447 : vector<16xi1>, vector<16xf32>
            %reduce_or3A_449 = arith.constant true
            %reduce_or3A_450 = vector.broadcast %reduce_or3A_449 : i1 to vector<16xi1>
            %reduce_or3A_451 = tpu.scan <max>, %reduce_or3A_448 masked %reduce_or3A_450 : vector<16xf32>, vector<16xi1> -> vector<16xf32>
            %reduce_or3A_452 = vector.extract %reduce_or3A_451[15] : f32 from vector<16xf32>
            %reduce_or3A_453 = arith.constant 0.000000e+00 : f32
            %reduce_or3A_454 = arith.cmpf ogt, %reduce_or3A_452, %reduce_or3A_453 : f32
            scf.condition(%reduce_or3A_454) %while3A_444 : vector<16xi1>
          } do {
          ^bb0(%while3A_444: vector<16xi1>):
            %unique3A_445, %unique3A_446 = tpu.scan_count mask(%while3A_444 : vector<16xi1>) value(%get3A_222 : vector<16xi32>) : vector<16xi1>, vector<16xi32>
            %eq3A_447 = arith.constant 1 : i32
            %eq3A_448 = vector.broadcast %eq3A_447 : i32 to vector<16xi32>
            %eq3A_449 = arith.cmpi eq, %unique3A_446, %eq3A_448 : vector<16xi32>
            %and3A_450 = arith.andi %while3A_444, %eq3A_449 : vector<16xi1>
            %gather3A_451 = tpu.vector_load_idx %arg7[%get3A_222] masked %and3A_450 : memref<10000xi32, #tpu.memory_space<vmem>>[vector<16xi32>], vector<16xi32>, vector<16xi1>
            %bitcast3A_452 = vector.bitcast %gather3A_451 : vector<16xi32> to vector<32xbf16>
            %bitcast3A_453 = vector.bitcast %gather3A_237 : vector<16xi32> to vector<32xbf16>
            %min3A_454 = arith.minimumf %bitcast3A_452, %bitcast3A_453 : vector<32xbf16>
            %bitcast3A_455 = vector.bitcast %min3A_454 : vector<32xbf16> to vector<16xi32>
            tpu.vector_store_idx %arg7[%get3A_222], %bitcast3A_455 masked %and3A_450 : memref<10000xi32, #tpu.memory_space<vmem>>[vector<16xi32>], vector<16xi32>, vector<16xi1>
            %gather3A_456 = tpu.vector_load_idx %arg8[%get3A_222] masked %and3A_450 : memref<10000xi32, #tpu.memory_space<vmem>>[vector<16xi32>], vector<16xi32>, vector<16xi1>
            %bitcast3A_457 = vector.bitcast %gather3A_456 : vector<16xi32> to vector<32xbf16>
            %bitcast3A_458 = vector.bitcast %gather3A_241 : vector<16xi32> to vector<32xbf16>
            %min3A_459 = arith.minimumf %bitcast3A_457, %bitcast3A_458 : vector<32xbf16>
            %bitcast3A_460 = vector.bitcast %min3A_459 : vector<32xbf16> to vector<16xi32>
            tpu.vector_store_idx %arg8[%get3A_222], %bitcast3A_460 masked %and3A_450 : memref<10000xi32, #tpu.memory_space<vmem>>[vector<16xi32>], vector<16xi32>, vector<16xi1>
            %not3A_461 = arith.constant dense<true> : vector<16xi1>
            %not3A_462 = arith.xori %and3A_450, %not3A_461 : vector<16xi1>
            %and3A_463 = arith.andi %while3A_444, %not3A_462 : vector<16xi1>
            scf.yield %and3A_463 : vector<16xi1>
          }
          %not3A_435 = arith.constant dense<true> : vector<16xi1>
          %not3A_436 = arith.xori %eq3A_260, %not3A_435 : vector<16xi1>
          %while3A_437 = scf.while (%while3A_444 = %not3A_436) : (vector<16xi1>) -> vector<16xi1> {
            %reduce_or3A = arith.constant 1.000000e+00 : f32
            %reduce_or3A_445 = arith.constant 0.000000e+00 : f32
            %reduce_or3A_446 = vector.broadcast %reduce_or3A : f32 to vector<16xf32>
            %reduce_or3A_447 = vector.broadcast %reduce_or3A_445 : f32 to vector<16xf32>
            %reduce_or3A_448 = arith.select %while3A_444, %reduce_or3A_446, %reduce_or3A_447 : vector<16xi1>, vector<16xf32>
            %reduce_or3A_449 = arith.constant true
            %reduce_or3A_450 = vector.broadcast %reduce_or3A_449 : i1 to vector<16xi1>
            %reduce_or3A_451 = tpu.scan <max>, %reduce_or3A_448 masked %reduce_or3A_450 : vector<16xf32>, vector<16xi1> -> vector<16xf32>
            %reduce_or3A_452 = vector.extract %reduce_or3A_451[15] : f32 from vector<16xf32>
            %reduce_or3A_453 = arith.constant 0.000000e+00 : f32
            %reduce_or3A_454 = arith.cmpf ogt, %reduce_or3A_452, %reduce_or3A_453 : f32
            scf.condition(%reduce_or3A_454) %while3A_444 : vector<16xi1>
          } do {
          ^bb0(%while3A_444: vector<16xi1>):
            %unique3A_445, %unique3A_446 = tpu.scan_count mask(%while3A_444 : vector<16xi1>) value(%get3A_249 : vector<16xi32>) : vector<16xi1>, vector<16xi32>
            %eq3A_447 = arith.constant 1 : i32
            %eq3A_448 = vector.broadcast %eq3A_447 : i32 to vector<16xi32>
            %eq3A_449 = arith.cmpi eq, %unique3A_446, %eq3A_448 : vector<16xi32>
            %and3A_450 = arith.andi %while3A_444, %eq3A_449 : vector<16xi1>
            %gather3A_451 = tpu.vector_load_idx %arg9[%get3A_249] masked %and3A_450 : memref<10000xi32, #tpu.memory_space<vmem>>[vector<16xi32>], vector<16xi32>, vector<16xi1>
            %bitcast3A_452 = vector.bitcast %gather3A_451 : vector<16xi32> to vector<32xbf16>
            %bitcast3A_453 = vector.bitcast %gather3A_264 : vector<16xi32> to vector<32xbf16>
            %min3A_454 = arith.minimumf %bitcast3A_452, %bitcast3A_453 : vector<32xbf16>
            %bitcast3A_455 = vector.bitcast %min3A_454 : vector<32xbf16> to vector<16xi32>
            tpu.vector_store_idx %arg9[%get3A_249], %bitcast3A_455 masked %and3A_450 : memref<10000xi32, #tpu.memory_space<vmem>>[vector<16xi32>], vector<16xi32>, vector<16xi1>
            %gather3A_456 = tpu.vector_load_idx %arg10[%get3A_249] masked %and3A_450 : memref<10000xi32, #tpu.memory_space<vmem>>[vector<16xi32>], vector<16xi32>, vector<16xi1>
            %bitcast3A_457 = vector.bitcast %gather3A_456 : vector<16xi32> to vector<32xbf16>
            %bitcast3A_458 = vector.bitcast %gather3A_268 : vector<16xi32> to vector<32xbf16>
            %min3A_459 = arith.minimumf %bitcast3A_457, %bitcast3A_458 : vector<32xbf16>
            %bitcast3A_460 = vector.bitcast %min3A_459 : vector<32xbf16> to vector<16xi32>
            tpu.vector_store_idx %arg10[%get3A_249], %bitcast3A_460 masked %and3A_450 : memref<10000xi32, #tpu.memory_space<vmem>>[vector<16xi32>], vector<16xi32>, vector<16xi1>
            %not3A_461 = arith.constant dense<true> : vector<16xi1>
            %not3A_462 = arith.xori %and3A_450, %not3A_461 : vector<16xi1>
            %and3A_463 = arith.andi %while3A_444, %not3A_462 : vector<16xi1>
            scf.yield %and3A_463 : vector<16xi1>
          }
          %not3A_438 = arith.constant dense<true> : vector<16xi1>
          %not3A_439 = arith.xori %eq3A_287, %not3A_438 : vector<16xi1>
          %while3A_440 = scf.while (%while3A_444 = %not3A_439) : (vector<16xi1>) -> vector<16xi1> {
            %reduce_or3A = arith.constant 1.000000e+00 : f32
            %reduce_or3A_445 = arith.constant 0.000000e+00 : f32
            %reduce_or3A_446 = vector.broadcast %reduce_or3A : f32 to vector<16xf32>
            %reduce_or3A_447 = vector.broadcast %reduce_or3A_445 : f32 to vector<16xf32>
            %reduce_or3A_448 = arith.select %while3A_444, %reduce_or3A_446, %reduce_or3A_447 : vector<16xi1>, vector<16xf32>
            %reduce_or3A_449 = arith.constant true
            %reduce_or3A_450 = vector.broadcast %reduce_or3A_449 : i1 to vector<16xi1>
            %reduce_or3A_451 = tpu.scan <max>, %reduce_or3A_448 masked %reduce_or3A_450 : vector<16xf32>, vector<16xi1> -> vector<16xf32>
            %reduce_or3A_452 = vector.extract %reduce_or3A_451[15] : f32 from vector<16xf32>
            %reduce_or3A_453 = arith.constant 0.000000e+00 : f32
            %reduce_or3A_454 = arith.cmpf ogt, %reduce_or3A_452, %reduce_or3A_453 : f32
            scf.condition(%reduce_or3A_454) %while3A_444 : vector<16xi1>
          } do {
          ^bb0(%while3A_444: vector<16xi1>):
            %unique3A_445, %unique3A_446 = tpu.scan_count mask(%while3A_444 : vector<16xi1>) value(%get3A_276 : vector<16xi32>) : vector<16xi1>, vector<16xi32>
            %eq3A_447 = arith.constant 1 : i32
            %eq3A_448 = vector.broadcast %eq3A_447 : i32 to vector<16xi32>
            %eq3A_449 = arith.cmpi eq, %unique3A_446, %eq3A_448 : vector<16xi32>
            %and3A_450 = arith.andi %while3A_444, %eq3A_449 : vector<16xi1>
            %gather3A_451 = tpu.vector_load_idx %arg7[%get3A_276] masked %and3A_450 : memref<10000xi32, #tpu.memory_space<vmem>>[vector<16xi32>], vector<16xi32>, vector<16xi1>
            %bitcast3A_452 = vector.bitcast %gather3A_451 : vector<16xi32> to vector<32xbf16>
            %bitcast3A_453 = vector.bitcast %gather3A_291 : vector<16xi32> to vector<32xbf16>
            %min3A_454 = arith.minimumf %bitcast3A_452, %bitcast3A_453 : vector<32xbf16>
            %bitcast3A_455 = vector.bitcast %min3A_454 : vector<32xbf16> to vector<16xi32>
            tpu.vector_store_idx %arg7[%get3A_276], %bitcast3A_455 masked %and3A_450 : memref<10000xi32, #tpu.memory_space<vmem>>[vector<16xi32>], vector<16xi32>, vector<16xi1>
            %gather3A_456 = tpu.vector_load_idx %arg8[%get3A_276] masked %and3A_450 : memref<10000xi32, #tpu.memory_space<vmem>>[vector<16xi32>], vector<16xi32>, vector<16xi1>
            %bitcast3A_457 = vector.bitcast %gather3A_456 : vector<16xi32> to vector<32xbf16>
            %bitcast3A_458 = vector.bitcast %gather3A_295 : vector<16xi32> to vector<32xbf16>
            %min3A_459 = arith.minimumf %bitcast3A_457, %bitcast3A_458 : vector<32xbf16>
            %bitcast3A_460 = vector.bitcast %min3A_459 : vector<32xbf16> to vector<16xi32>
            tpu.vector_store_idx %arg8[%get3A_276], %bitcast3A_460 masked %and3A_450 : memref<10000xi32, #tpu.memory_space<vmem>>[vector<16xi32>], vector<16xi32>, vector<16xi1>
            %not3A_461 = arith.constant dense<true> : vector<16xi1>
            %not3A_462 = arith.xori %and3A_450, %not3A_461 : vector<16xi1>
            %and3A_463 = arith.andi %while3A_444, %not3A_462 : vector<16xi1>
            scf.yield %and3A_463 : vector<16xi1>
          }
          %not3A_441 = arith.constant dense<true> : vector<16xi1>
          %not3A_442 = arith.xori %eq3A_314, %not3A_441 : vector<16xi1>
          %while3A_443 = scf.while (%while3A_444 = %not3A_442) : (vector<16xi1>) -> vector<16xi1> {
            %reduce_or3A = arith.constant 1.000000e+00 : f32
            %reduce_or3A_445 = arith.constant 0.000000e+00 : f32
            %reduce_or3A_446 = vector.broadcast %reduce_or3A : f32 to vector<16xf32>
            %reduce_or3A_447 = vector.broadcast %reduce_or3A_445 : f32 to vector<16xf32>
            %reduce_or3A_448 = arith.select %while3A_444, %reduce_or3A_446, %reduce_or3A_447 : vector<16xi1>, vector<16xf32>
            %reduce_or3A_449 = arith.constant true
            %reduce_or3A_450 = vector.broadcast %reduce_or3A_449 : i1 to vector<16xi1>
            %reduce_or3A_451 = tpu.scan <max>, %reduce_or3A_448 masked %reduce_or3A_450 : vector<16xf32>, vector<16xi1> -> vector<16xf32>
            %reduce_or3A_452 = vector.extract %reduce_or3A_451[15] : f32 from vector<16xf32>
            %reduce_or3A_453 = arith.constant 0.000000e+00 : f32
            %reduce_or3A_454 = arith.cmpf ogt, %reduce_or3A_452, %reduce_or3A_453 : f32
            scf.condition(%reduce_or3A_454) %while3A_444 : vector<16xi1>
          } do {
          ^bb0(%while3A_444: vector<16xi1>):
            %unique3A_445, %unique3A_446 = tpu.scan_count mask(%while3A_444 : vector<16xi1>) value(%get3A_303 : vector<16xi32>) : vector<16xi1>, vector<16xi32>
            %eq3A_447 = arith.constant 1 : i32
            %eq3A_448 = vector.broadcast %eq3A_447 : i32 to vector<16xi32>
            %eq3A_449 = arith.cmpi eq, %unique3A_446, %eq3A_448 : vector<16xi32>
            %and3A_450 = arith.andi %while3A_444, %eq3A_449 : vector<16xi1>
            %gather3A_451 = tpu.vector_load_idx %arg9[%get3A_303] masked %and3A_450 : memref<10000xi32, #tpu.memory_space<vmem>>[vector<16xi32>], vector<16xi32>, vector<16xi1>
            %bitcast3A_452 = vector.bitcast %gather3A_451 : vector<16xi32> to vector<32xbf16>
            %bitcast3A_453 = vector.bitcast %gather3A_318 : vector<16xi32> to vector<32xbf16>
            %min3A_454 = arith.minimumf %bitcast3A_452, %bitcast3A_453 : vector<32xbf16>
            %bitcast3A_455 = vector.bitcast %min3A_454 : vector<32xbf16> to vector<16xi32>
            tpu.vector_store_idx %arg9[%get3A_303], %bitcast3A_455 masked %and3A_450 : memref<10000xi32, #tpu.memory_space<vmem>>[vector<16xi32>], vector<16xi32>, vector<16xi1>
            %gather3A_456 = tpu.vector_load_idx %arg10[%get3A_303] masked %and3A_450 : memref<10000xi32, #tpu.memory_space<vmem>>[vector<16xi32>], vector<16xi32>, vector<16xi1>
            %bitcast3A_457 = vector.bitcast %gather3A_456 : vector<16xi32> to vector<32xbf16>
            %bitcast3A_458 = vector.bitcast %gather3A_322 : vector<16xi32> to vector<32xbf16>
            %min3A_459 = arith.minimumf %bitcast3A_457, %bitcast3A_458 : vector<32xbf16>
            %bitcast3A_460 = vector.bitcast %min3A_459 : vector<32xbf16> to vector<16xi32>
            tpu.vector_store_idx %arg10[%get3A_303], %bitcast3A_460 masked %and3A_450 : memref<10000xi32, #tpu.memory_space<vmem>>[vector<16xi32>], vector<16xi32>, vector<16xi1>
            %not3A_461 = arith.constant dense<true> : vector<16xi1>
            %not3A_462 = arith.xori %and3A_450, %not3A_461 : vector<16xi1>
            %and3A_463 = arith.andi %while3A_444, %not3A_462 : vector<16xi1>
            scf.yield %and3A_463 : vector<16xi1>
          }
        } else {
        }
        %scan3A_420 = arith.constant 0 : i32
        scf.yield %scan3A_420 : i32
      }
      %scan3A_70 = arith.constant 50 : i32
      %add3A_71 = arith.constant 1 : i32
      %add3A_72 = arith.addi %mul3A_45, %add3A_71 : i32
      %mul3A_73 = arith.constant 6400 : i32
      %mul3A_74 = arith.muli %add3A_72, %mul3A_73 : i32
      %dma_wait3A_75 = tpu.memref_slice %arg3[%mul3A_74] : memref<320000xi32, #tpu.memory_space<hbm>> -> memref<6400xi32, #tpu.memory_space<hbm>>
      %dma_wait3A_76 = tpu.memref_slice %arg3[%mul3A_74] : memref<320000xi32, #tpu.memory_space<hbm>> -> memref<6400xi32, #tpu.memory_space<hbm>>
      tpu.wait_dma2 semaphore(%arg17 : memref<!tpu.dma_semaphore, #tpu.memory_space<semaphore_mem>>) src(%dma_wait3A_76 : memref<6400xi32, #tpu.memory_space<hbm>>) dst(%arg13 : memref<6400xi32, #tpu.memory_space<vmem>>)
      %mul3A_77 = arith.constant 6400 : i32
      %mul3A_78 = arith.muli %add3A_72, %mul3A_77 : i32
      %dma_wait3A_79 = tpu.memref_slice %arg4[%mul3A_78] : memref<320000xi32, #tpu.memory_space<hbm>> -> memref<6400xi32, #tpu.memory_space<hbm>>
      %dma_wait3A_80 = tpu.memref_slice %arg4[%mul3A_78] : memref<320000xi32, #tpu.memory_space<hbm>> -> memref<6400xi32, #tpu.memory_space<hbm>>
      tpu.wait_dma2 semaphore(%arg18 : memref<!tpu.dma_semaphore, #tpu.memory_space<semaphore_mem>>) src(%dma_wait3A_80 : memref<6400xi32, #tpu.memory_space<hbm>>) dst(%arg14 : memref<6400xi32, #tpu.memory_space<vmem>>)
      %add3A_81 = arith.constant 2 : i32
      %add3A_82 = arith.addi %mul3A_45, %add3A_81 : i32
      %jit3A = arith.constant 50 : i32
      %eq3A = arith.constant 0 : i32
      %eq3A_83 = arith.cmpi eq, %jit3A, %eq3A : i32
      %jit3A_84 = arith.constant 1 : i32
      %select_n3A = arith.select %eq3A_83, %jit3A_84, %jit3A : i32
      %rem3A = arith.remsi %add3A_82, %select_n3A : i32
      %ne3A = arith.constant 0 : i32
      %ne3A_85 = arith.cmpi ne, %rem3A, %ne3A : i32
      %lt3A = arith.constant 0 : i32
      %lt3A_86 = arith.cmpi slt, %rem3A, %lt3A : i32
      %lt3A_87 = arith.constant 0 : i32
      %lt3A_88 = arith.cmpi slt, %select_n3A, %lt3A_87 : i32
      %ne3A_89 = arith.xori %lt3A_86, %lt3A_88 : i1
      %and3A = arith.andi %ne3A_89, %ne3A_85 : i1
      %add3A_90 = arith.addi %rem3A, %select_n3A : i32
      %select_n3A_91 = arith.select %and3A, %add3A_90, %rem3A : i32
      %mul3A_92 = arith.constant 6400 : i32
      %mul3A_93 = arith.muli %select_n3A_91, %mul3A_92 : i32
      %dma_start3A_94 = tpu.memref_slice %arg3[%mul3A_93] : memref<320000xi32, #tpu.memory_space<hbm>> -> memref<6400xi32, #tpu.memory_space<hbm>>
      %dma_start3A_95 = tpu.memref_slice %arg3[%mul3A_93] : memref<320000xi32, #tpu.memory_space<hbm>> -> memref<6400xi32, #tpu.memory_space<hbm>>
      tpu.enqueue_dma source(%dma_start3A_95 : memref<6400xi32, #tpu.memory_space<hbm>>) target(%arg11 : memref<6400xi32, #tpu.memory_space<vmem>>) target_semaphore(%arg15 : memref<!tpu.dma_semaphore, #tpu.memory_space<semaphore_mem>>)
      %mul3A_96 = arith.constant 6400 : i32
      %mul3A_97 = arith.muli %select_n3A_91, %mul3A_96 : i32
      %dma_start3A_98 = tpu.memref_slice %arg4[%mul3A_97] : memref<320000xi32, #tpu.memory_space<hbm>> -> memref<6400xi32, #tpu.memory_space<hbm>>
      %dma_start3A_99 = tpu.memref_slice %arg4[%mul3A_97] : memref<320000xi32, #tpu.memory_space<hbm>> -> memref<6400xi32, #tpu.memory_space<hbm>>
      tpu.enqueue_dma source(%dma_start3A_99 : memref<6400xi32, #tpu.memory_space<hbm>>) target(%arg12 : memref<6400xi32, #tpu.memory_space<vmem>>) target_semaphore(%arg16 : memref<!tpu.dma_semaphore, #tpu.memory_space<semaphore_mem>>)
      %scan3A_100 = arith.constant 0 : i32
      %scan3A_101 = arith.constant 0 : i32
      %scan3A_102 = arith.constant 50 : i32
      %scan3A_103 = arith.addi %scan3A_101, %scan3A_102 : i32
      %scan3A_104 = arith.constant 1 : i32
      %scan3A_105 = scf.for %scan3A_108 = %scan3A_101 to %scan3A_103 step %scan3A_104 iter_args(%scan3A_109 = %scan3A_100) -> (i32)  : i32 {
        %mul3A_110 = arith.constant 8 : i32
        %mul3A_111 = arith.muli %scan3A_108, %mul3A_110 : i32
        %add3A_112 = arith.constant 0 : i32
        %add3A_113 = arith.addi %mul3A_111, %add3A_112 : i32
        %mul3A_114 = arith.constant 16 : i32
        %mul3A_115 = arith.muli %add3A_113, %mul3A_114 : i32
        %get3A = arith.index_cast %mul3A_115 : i32 to index
        %get3A_116 = tpu.vector_load %arg13[%get3A] {strides = array<i32>} : memref<6400xi32, #tpu.memory_space<vmem>>, vector<16xi32>,
        %mul3A_117 = arith.constant 16 : i32
        %mul3A_118 = arith.muli %add3A_113, %mul3A_117 : i32
        %get3A_119 = arith.index_cast %mul3A_118 : i32 to index
        %get3A_120 = tpu.vector_load %arg14[%get3A_119] {strides = array<i32>} : memref<6400xi32, #tpu.memory_space<vmem>>, vector<16xi32>,
        %broadcast_in_dim3A_121 = arith.constant true
        %broadcast_in_dim3A_122 = vector.broadcast %broadcast_in_dim3A_121 : i1 to vector<16xi1>
        %unique3A, %unique3A_123 = tpu.scan_count mask(%broadcast_in_dim3A_122 : vector<16xi1>) value(%get3A_116 : vector<16xi32>) : vector<16xi1>, vector<16xi32>
        %eq3A_124 = arith.constant 1 : i32
        %eq3A_125 = vector.broadcast %eq3A_124 : i32 to vector<16xi32>
        %eq3A_126 = arith.cmpi eq, %unique3A_123, %eq3A_125 : vector<16xi32>
        %add3A_127 = arith.constant 0 : i32
        %add3A_128 = vector.broadcast %add3A_127 : i32 to vector<16xi32>
        %add3A_129 = arith.addi %get3A_120, %add3A_128 : vector<16xi32>
        %gather3A = tpu.vector_load_idx %arg6[%add3A_129] : memref<20000xi32, #tpu.memory_space<vmem>>[vector<16xi32>], vector<16xi32>,
        %add3A_130 = arith.constant 10000 : i32
        %add3A_131 = vector.broadcast %add3A_130 : i32 to vector<16xi32>
        %add3A_132 = arith.addi %get3A_120, %add3A_131 : vector<16xi32>
        %gather3A_133 = tpu.vector_load_idx %arg6[%add3A_132] : memref<20000xi32, #tpu.memory_space<vmem>>[vector<16xi32>], vector<16xi32>,
        %mul3A_134 = arith.constant 8 : i32
        %mul3A_135 = arith.muli %scan3A_108, %mul3A_134 : i32
        %add3A_136 = arith.constant 1 : i32
        %add3A_137 = arith.addi %mul3A_135, %add3A_136 : i32
        %mul3A_138 = arith.constant 16 : i32
        %mul3A_139 = arith.muli %add3A_137, %mul3A_138 : i32
        %get3A_140 = arith.index_cast %mul3A_139 : i32 to index
        %get3A_141 = tpu.vector_load %arg13[%get3A_140] {strides = array<i32>} : memref<6400xi32, #tpu.memory_space<vmem>>, vector<16xi32>,
        %mul3A_142 = arith.constant 16 : i32
        %mul3A_143 = arith.muli %add3A_137, %mul3A_142 : i32
        %get3A_144 = arith.index_cast %mul3A_143 : i32 to index
        %get3A_145 = tpu.vector_load %arg14[%get3A_144] {strides = array<i32>} : memref<6400xi32, #tpu.memory_space<vmem>>, vector<16xi32>,
        %broadcast_in_dim3A_146 = arith.constant true
        %broadcast_in_dim3A_147 = vector.broadcast %broadcast_in_dim3A_146 : i1 to vector<16xi1>
        %unique3A_148, %unique3A_149 = tpu.scan_count mask(%broadcast_in_dim3A_147 : vector<16xi1>) value(%get3A_141 : vector<16xi32>) : vector<16xi1>, vector<16xi32>
        %eq3A_150 = arith.constant 1 : i32
        %eq3A_151 = vector.broadcast %eq3A_150 : i32 to vector<16xi32>
        %eq3A_152 = arith.cmpi eq, %unique3A_149, %eq3A_151 : vector<16xi32>
        %add3A_153 = arith.constant 0 : i32
        %add3A_154 = vector.broadcast %add3A_153 : i32 to vector<16xi32>
        %add3A_155 = arith.addi %get3A_145, %add3A_154 : vector<16xi32>
        %gather3A_156 = tpu.vector_load_idx %arg6[%add3A_155] : memref<20000xi32, #tpu.memory_space<vmem>>[vector<16xi32>], vector<16xi32>,
        %add3A_157 = arith.constant 10000 : i32
        %add3A_158 = vector.broadcast %add3A_157 : i32 to vector<16xi32>
        %add3A_159 = arith.addi %get3A_145, %add3A_158 : vector<16xi32>
        %gather3A_160 = tpu.vector_load_idx %arg6[%add3A_159] : memref<20000xi32, #tpu.memory_space<vmem>>[vector<16xi32>], vector<16xi32>,
        %mul3A_161 = arith.constant 8 : i32
        %mul3A_162 = arith.muli %scan3A_108, %mul3A_161 : i32
        %add3A_163 = arith.constant 2 : i32
        %add3A_164 = arith.addi %mul3A_162, %add3A_163 : i32
        %mul3A_165 = arith.constant 16 : i32
        %mul3A_166 = arith.muli %add3A_164, %mul3A_165 : i32
        %get3A_167 = arith.index_cast %mul3A_166 : i32 to index
        %get3A_168 = tpu.vector_load %arg13[%get3A_167] {strides = array<i32>} : memref<6400xi32, #tpu.memory_space<vmem>>, vector<16xi32>,
        %mul3A_169 = arith.constant 16 : i32
        %mul3A_170 = arith.muli %add3A_164, %mul3A_169 : i32
        %get3A_171 = arith.index_cast %mul3A_170 : i32 to index
        %get3A_172 = tpu.vector_load %arg14[%get3A_171] {strides = array<i32>} : memref<6400xi32, #tpu.memory_space<vmem>>, vector<16xi32>,
        %broadcast_in_dim3A_173 = arith.constant true
        %broadcast_in_dim3A_174 = vector.broadcast %broadcast_in_dim3A_173 : i1 to vector<16xi1>
        %unique3A_175, %unique3A_176 = tpu.scan_count mask(%broadcast_in_dim3A_174 : vector<16xi1>) value(%get3A_168 : vector<16xi32>) : vector<16xi1>, vector<16xi32>
        %eq3A_177 = arith.constant 1 : i32
        %eq3A_178 = vector.broadcast %eq3A_177 : i32 to vector<16xi32>
        %eq3A_179 = arith.cmpi eq, %unique3A_176, %eq3A_178 : vector<16xi32>
        %add3A_180 = arith.constant 0 : i32
        %add3A_181 = vector.broadcast %add3A_180 : i32 to vector<16xi32>
        %add3A_182 = arith.addi %get3A_172, %add3A_181 : vector<16xi32>
        %gather3A_183 = tpu.vector_load_idx %arg6[%add3A_182] : memref<20000xi32, #tpu.memory_space<vmem>>[vector<16xi32>], vector<16xi32>,
        %add3A_184 = arith.constant 10000 : i32
        %add3A_185 = vector.broadcast %add3A_184 : i32 to vector<16xi32>
        %add3A_186 = arith.addi %get3A_172, %add3A_185 : vector<16xi32>
        %gather3A_187 = tpu.vector_load_idx %arg6[%add3A_186] : memref<20000xi32, #tpu.memory_space<vmem>>[vector<16xi32>], vector<16xi32>,
        %mul3A_188 = arith.constant 8 : i32
        %mul3A_189 = arith.muli %scan3A_108, %mul3A_188 : i32
        %add3A_190 = arith.constant 3 : i32
        %add3A_191 = arith.addi %mul3A_189, %add3A_190 : i32
        %mul3A_192 = arith.constant 16 : i32
        %mul3A_193 = arith.muli %add3A_191, %mul3A_192 : i32
        %get3A_194 = arith.index_cast %mul3A_193 : i32 to index
        %get3A_195 = tpu.vector_load %arg13[%get3A_194] {strides = array<i32>} : memref<6400xi32, #tpu.memory_space<vmem>>, vector<16xi32>,
        %mul3A_196 = arith.constant 16 : i32
        %mul3A_197 = arith.muli %add3A_191, %mul3A_196 : i32
        %get3A_198 = arith.index_cast %mul3A_197 : i32 to index
        %get3A_199 = tpu.vector_load %arg14[%get3A_198] {strides = array<i32>} : memref<6400xi32, #tpu.memory_space<vmem>>, vector<16xi32>,
        %broadcast_in_dim3A_200 = arith.constant true
        %broadcast_in_dim3A_201 = vector.broadcast %broadcast_in_dim3A_200 : i1 to vector<16xi1>
        %unique3A_202, %unique3A_203 = tpu.scan_count mask(%broadcast_in_dim3A_201 : vector<16xi1>) value(%get3A_195 : vector<16xi32>) : vector<16xi1>, vector<16xi32>
        %eq3A_204 = arith.constant 1 : i32
        %eq3A_205 = vector.broadcast %eq3A_204 : i32 to vector<16xi32>
        %eq3A_206 = arith.cmpi eq, %unique3A_203, %eq3A_205 : vector<16xi32>
        %add3A_207 = arith.constant 0 : i32
        %add3A_208 = vector.broadcast %add3A_207 : i32 to vector<16xi32>
        %add3A_209 = arith.addi %get3A_199, %add3A_208 : vector<16xi32>
        %gather3A_210 = tpu.vector_load_idx %arg6[%add3A_209] : memref<20000xi32, #tpu.memory_space<vmem>>[vector<16xi32>], vector<16xi32>,
        %add3A_211 = arith.constant 10000 : i32
        %add3A_212 = vector.broadcast %add3A_211 : i32 to vector<16xi32>
        %add3A_213 = arith.addi %get3A_199, %add3A_212 : vector<16xi32>
        %gather3A_214 = tpu.vector_load_idx %arg6[%add3A_213] : memref<20000xi32, #tpu.memory_space<vmem>>[vector<16xi32>], vector<16xi32>,
        %mul3A_215 = arith.constant 8 : i32
        %mul3A_216 = arith.muli %scan3A_108, %mul3A_215 : i32
        %add3A_217 = arith.constant 4 : i32
        %add3A_218 = arith.addi %mul3A_216, %add3A_217 : i32
        %mul3A_219 = arith.constant 16 : i32
        %mul3A_220 = arith.muli %add3A_218, %mul3A_219 : i32
        %get3A_221 = arith.index_cast %mul3A_220 : i32 to index
        %get3A_222 = tpu.vector_load %arg13[%get3A_221] {strides = array<i32>} : memref<6400xi32, #tpu.memory_space<vmem>>, vector<16xi32>,
        %mul3A_223 = arith.constant 16 : i32
        %mul3A_224 = arith.muli %add3A_218, %mul3A_223 : i32
        %get3A_225 = arith.index_cast %mul3A_224 : i32 to index
        %get3A_226 = tpu.vector_load %arg14[%get3A_225] {strides = array<i32>} : memref<6400xi32, #tpu.memory_space<vmem>>, vector<16xi32>,
        %broadcast_in_dim3A_227 = arith.constant true
        %broadcast_in_dim3A_228 = vector.broadcast %broadcast_in_dim3A_227 : i1 to vector<16xi1>
        %unique3A_229, %unique3A_230 = tpu.scan_count mask(%broadcast_in_dim3A_228 : vector<16xi1>) value(%get3A_222 : vector<16xi32>) : vector<16xi1>, vector<16xi32>
        %eq3A_231 = arith.constant 1 : i32
        %eq3A_232 = vector.broadcast %eq3A_231 : i32 to vector<16xi32>
        %eq3A_233 = arith.cmpi eq, %unique3A_230, %eq3A_232 : vector<16xi32>
        %add3A_234 = arith.constant 0 : i32
        %add3A_235 = vector.broadcast %add3A_234 : i32 to vector<16xi32>
        %add3A_236 = arith.addi %get3A_226, %add3A_235 : vector<16xi32>
        %gather3A_237 = tpu.vector_load_idx %arg6[%add3A_236] : memref<20000xi32, #tpu.memory_space<vmem>>[vector<16xi32>], vector<16xi32>,
        %add3A_238 = arith.constant 10000 : i32
        %add3A_239 = vector.broadcast %add3A_238 : i32 to vector<16xi32>
        %add3A_240 = arith.addi %get3A_226, %add3A_239 : vector<16xi32>
        %gather3A_241 = tpu.vector_load_idx %arg6[%add3A_240] : memref<20000xi32, #tpu.memory_space<vmem>>[vector<16xi32>], vector<16xi32>,
        %mul3A_242 = arith.constant 8 : i32
        %mul3A_243 = arith.muli %scan3A_108, %mul3A_242 : i32
        %add3A_244 = arith.constant 5 : i32
        %add3A_245 = arith.addi %mul3A_243, %add3A_244 : i32
        %mul3A_246 = arith.constant 16 : i32
        %mul3A_247 = arith.muli %add3A_245, %mul3A_246 : i32
        %get3A_248 = arith.index_cast %mul3A_247 : i32 to index
        %get3A_249 = tpu.vector_load %arg13[%get3A_248] {strides = array<i32>} : memref<6400xi32, #tpu.memory_space<vmem>>, vector<16xi32>,
        %mul3A_250 = arith.constant 16 : i32
        %mul3A_251 = arith.muli %add3A_245, %mul3A_250 : i32
        %get3A_252 = arith.index_cast %mul3A_251 : i32 to index
        %get3A_253 = tpu.vector_load %arg14[%get3A_252] {strides = array<i32>} : memref<6400xi32, #tpu.memory_space<vmem>>, vector<16xi32>,
        %broadcast_in_dim3A_254 = arith.constant true
        %broadcast_in_dim3A_255 = vector.broadcast %broadcast_in_dim3A_254 : i1 to vector<16xi1>
        %unique3A_256, %unique3A_257 = tpu.scan_count mask(%broadcast_in_dim3A_255 : vector<16xi1>) value(%get3A_249 : vector<16xi32>) : vector<16xi1>, vector<16xi32>
        %eq3A_258 = arith.constant 1 : i32
        %eq3A_259 = vector.broadcast %eq3A_258 : i32 to vector<16xi32>
        %eq3A_260 = arith.cmpi eq, %unique3A_257, %eq3A_259 : vector<16xi32>
        %add3A_261 = arith.constant 0 : i32
        %add3A_262 = vector.broadcast %add3A_261 : i32 to vector<16xi32>
        %add3A_263 = arith.addi %get3A_253, %add3A_262 : vector<16xi32>
        %gather3A_264 = tpu.vector_load_idx %arg6[%add3A_263] : memref<20000xi32, #tpu.memory_space<vmem>>[vector<16xi32>], vector<16xi32>,
        %add3A_265 = arith.constant 10000 : i32
        %add3A_266 = vector.broadcast %add3A_265 : i32 to vector<16xi32>
        %add3A_267 = arith.addi %get3A_253, %add3A_266 : vector<16xi32>
        %gather3A_268 = tpu.vector_load_idx %arg6[%add3A_267] : memref<20000xi32, #tpu.memory_space<vmem>>[vector<16xi32>], vector<16xi32>,
        %mul3A_269 = arith.constant 8 : i32
        %mul3A_270 = arith.muli %scan3A_108, %mul3A_269 : i32
        %add3A_271 = arith.constant 6 : i32
        %add3A_272 = arith.addi %mul3A_270, %add3A_271 : i32
        %mul3A_273 = arith.constant 16 : i32
        %mul3A_274 = arith.muli %add3A_272, %mul3A_273 : i32
        %get3A_275 = arith.index_cast %mul3A_274 : i32 to index
        %get3A_276 = tpu.vector_load %arg13[%get3A_275] {strides = array<i32>} : memref<6400xi32, #tpu.memory_space<vmem>>, vector<16xi32>,
        %mul3A_277 = arith.constant 16 : i32
        %mul3A_278 = arith.muli %add3A_272, %mul3A_277 : i32
        %get3A_279 = arith.index_cast %mul3A_278 : i32 to index
        %get3A_280 = tpu.vector_load %arg14[%get3A_279] {strides = array<i32>} : memref<6400xi32, #tpu.memory_space<vmem>>, vector<16xi32>,
        %broadcast_in_dim3A_281 = arith.constant true
        %broadcast_in_dim3A_282 = vector.broadcast %broadcast_in_dim3A_281 : i1 to vector<16xi1>
        %unique3A_283, %unique3A_284 = tpu.scan_count mask(%broadcast_in_dim3A_282 : vector<16xi1>) value(%get3A_276 : vector<16xi32>) : vector<16xi1>, vector<16xi32>
        %eq3A_285 = arith.constant 1 : i32
        %eq3A_286 = vector.broadcast %eq3A_285 : i32 to vector<16xi32>
        %eq3A_287 = arith.cmpi eq, %unique3A_284, %eq3A_286 : vector<16xi32>
        %add3A_288 = arith.constant 0 : i32
        %add3A_289 = vector.broadcast %add3A_288 : i32 to vector<16xi32>
        %add3A_290 = arith.addi %get3A_280, %add3A_289 : vector<16xi32>
        %gather3A_291 = tpu.vector_load_idx %arg6[%add3A_290] : memref<20000xi32, #tpu.memory_space<vmem>>[vector<16xi32>], vector<16xi32>,
        %add3A_292 = arith.constant 10000 : i32
        %add3A_293 = vector.broadcast %add3A_292 : i32 to vector<16xi32>
        %add3A_294 = arith.addi %get3A_280, %add3A_293 : vector<16xi32>
        %gather3A_295 = tpu.vector_load_idx %arg6[%add3A_294] : memref<20000xi32, #tpu.memory_space<vmem>>[vector<16xi32>], vector<16xi32>,
        %mul3A_296 = arith.constant 8 : i32
        %mul3A_297 = arith.muli %scan3A_108, %mul3A_296 : i32
        %add3A_298 = arith.constant 7 : i32
        %add3A_299 = arith.addi %mul3A_297, %add3A_298 : i32
        %mul3A_300 = arith.constant 16 : i32
        %mul3A_301 = arith.muli %add3A_299, %mul3A_300 : i32
        %get3A_302 = arith.index_cast %mul3A_301 : i32 to index
        %get3A_303 = tpu.vector_load %arg13[%get3A_302] {strides = array<i32>} : memref<6400xi32, #tpu.memory_space<vmem>>, vector<16xi32>,
        %mul3A_304 = arith.constant 16 : i32
        %mul3A_305 = arith.muli %add3A_299, %mul3A_304 : i32
        %get3A_306 = arith.index_cast %mul3A_305 : i32 to index
        %get3A_307 = tpu.vector_load %arg14[%get3A_306] {strides = array<i32>} : memref<6400xi32, #tpu.memory_space<vmem>>, vector<16xi32>,
        %broadcast_in_dim3A_308 = arith.constant true
        %broadcast_in_dim3A_309 = vector.broadcast %broadcast_in_dim3A_308 : i1 to vector<16xi1>
        %unique3A_310, %unique3A_311 = tpu.scan_count mask(%broadcast_in_dim3A_309 : vector<16xi1>) value(%get3A_303 : vector<16xi32>) : vector<16xi1>, vector<16xi32>
        %eq3A_312 = arith.constant 1 : i32
        %eq3A_313 = vector.broadcast %eq3A_312 : i32 to vector<16xi32>
        %eq3A_314 = arith.cmpi eq, %unique3A_311, %eq3A_313 : vector<16xi32>
        %add3A_315 = arith.constant 0 : i32
        %add3A_316 = vector.broadcast %add3A_315 : i32 to vector<16xi32>
        %add3A_317 = arith.addi %get3A_307, %add3A_316 : vector<16xi32>
        %gather3A_318 = tpu.vector_load_idx %arg6[%add3A_317] : memref<20000xi32, #tpu.memory_space<vmem>>[vector<16xi32>], vector<16xi32>,
        %add3A_319 = arith.constant 10000 : i32
        %add3A_320 = vector.broadcast %add3A_319 : i32 to vector<16xi32>
        %add3A_321 = arith.addi %get3A_307, %add3A_320 : vector<16xi32>
        %gather3A_322 = tpu.vector_load_idx %arg6[%add3A_321] : memref<20000xi32, #tpu.memory_space<vmem>>[vector<16xi32>], vector<16xi32>,
        %gather3A_323 = tpu.vector_load_idx %arg7[%get3A_116] : memref<10000xi32, #tpu.memory_space<vmem>>[vector<16xi32>], vector<16xi32>,
        %gather3A_324 = tpu.vector_load_idx %arg8[%get3A_116] : memref<10000xi32, #tpu.memory_space<vmem>>[vector<16xi32>], vector<16xi32>,
        %bitcast3A = vector.bitcast %gather3A_323 : vector<16xi32> to vector<32xbf16>
        %bitcast3A_325 = vector.bitcast %gather3A : vector<16xi32> to vector<32xbf16>
        %min3A = arith.minimumf %bitcast3A, %bitcast3A_325 : vector<32xbf16>
        %bitcast3A_326 = vector.bitcast %min3A : vector<32xbf16> to vector<16xi32>
        tpu.vector_store_idx %arg7[%get3A_116], %bitcast3A_326 masked %eq3A_126 : memref<10000xi32, #tpu.memory_space<vmem>>[vector<16xi32>], vector<16xi32>, vector<16xi1>
        %bitcast3A_327 = vector.bitcast %gather3A_324 : vector<16xi32> to vector<32xbf16>
        %bitcast3A_328 = vector.bitcast %gather3A_133 : vector<16xi32> to vector<32xbf16>
        %min3A_329 = arith.minimumf %bitcast3A_327, %bitcast3A_328 : vector<32xbf16>
        %bitcast3A_330 = vector.bitcast %min3A_329 : vector<32xbf16> to vector<16xi32>
        tpu.vector_store_idx %arg8[%get3A_116], %bitcast3A_330 masked %eq3A_126 : memref<10000xi32, #tpu.memory_space<vmem>>[vector<16xi32>], vector<16xi32>, vector<16xi1>
        %gather3A_331 = tpu.vector_load_idx %arg9[%get3A_141] : memref<10000xi32, #tpu.memory_space<vmem>>[vector<16xi32>], vector<16xi32>,
        %gather3A_332 = tpu.vector_load_idx %arg10[%get3A_141] : memref<10000xi32, #tpu.memory_space<vmem>>[vector<16xi32>], vector<16xi32>,
        %bitcast3A_333 = vector.bitcast %gather3A_331 : vector<16xi32> to vector<32xbf16>
        %bitcast3A_334 = vector.bitcast %gather3A_156 : vector<16xi32> to vector<32xbf16>
        %min3A_335 = arith.minimumf %bitcast3A_333, %bitcast3A_334 : vector<32xbf16>
        %bitcast3A_336 = vector.bitcast %min3A_335 : vector<32xbf16> to vector<16xi32>
        tpu.vector_store_idx %arg9[%get3A_141], %bitcast3A_336 masked %eq3A_152 : memref<10000xi32, #tpu.memory_space<vmem>>[vector<16xi32>], vector<16xi32>, vector<16xi1>
        %bitcast3A_337 = vector.bitcast %gather3A_332 : vector<16xi32> to vector<32xbf16>
        %bitcast3A_338 = vector.bitcast %gather3A_160 : vector<16xi32> to vector<32xbf16>
        %min3A_339 = arith.minimumf %bitcast3A_337, %bitcast3A_338 : vector<32xbf16>
        %bitcast3A_340 = vector.bitcast %min3A_339 : vector<32xbf16> to vector<16xi32>
        tpu.vector_store_idx %arg10[%get3A_141], %bitcast3A_340 masked %eq3A_152 : memref<10000xi32, #tpu.memory_space<vmem>>[vector<16xi32>], vector<16xi32>, vector<16xi1>
        %gather3A_341 = tpu.vector_load_idx %arg7[%get3A_168] : memref<10000xi32, #tpu.memory_space<vmem>>[vector<16xi32>], vector<16xi32>,
        %gather3A_342 = tpu.vector_load_idx %arg8[%get3A_168] : memref<10000xi32, #tpu.memory_space<vmem>>[vector<16xi32>], vector<16xi32>,
        %bitcast3A_343 = vector.bitcast %gather3A_341 : vector<16xi32> to vector<32xbf16>
        %bitcast3A_344 = vector.bitcast %gather3A_183 : vector<16xi32> to vector<32xbf16>
        %min3A_345 = arith.minimumf %bitcast3A_343, %bitcast3A_344 : vector<32xbf16>
        %bitcast3A_346 = vector.bitcast %min3A_345 : vector<32xbf16> to vector<16xi32>
        tpu.vector_store_idx %arg7[%get3A_168], %bitcast3A_346 masked %eq3A_179 : memref<10000xi32, #tpu.memory_space<vmem>>[vector<16xi32>], vector<16xi32>, vector<16xi1>
        %bitcast3A_347 = vector.bitcast %gather3A_342 : vector<16xi32> to vector<32xbf16>
        %bitcast3A_348 = vector.bitcast %gather3A_187 : vector<16xi32> to vector<32xbf16>
        %min3A_349 = arith.minimumf %bitcast3A_347, %bitcast3A_348 : vector<32xbf16>
        %bitcast3A_350 = vector.bitcast %min3A_349 : vector<32xbf16> to vector<16xi32>
        tpu.vector_store_idx %arg8[%get3A_168], %bitcast3A_350 masked %eq3A_179 : memref<10000xi32, #tpu.memory_space<vmem>>[vector<16xi32>], vector<16xi32>, vector<16xi1>
        %gather3A_351 = tpu.vector_load_idx %arg9[%get3A_195] : memref<10000xi32, #tpu.memory_space<vmem>>[vector<16xi32>], vector<16xi32>,
        %gather3A_352 = tpu.vector_load_idx %arg10[%get3A_195] : memref<10000xi32, #tpu.memory_space<vmem>>[vector<16xi32>], vector<16xi32>,
        %bitcast3A_353 = vector.bitcast %gather3A_351 : vector<16xi32> to vector<32xbf16>
        %bitcast3A_354 = vector.bitcast %gather3A_210 : vector<16xi32> to vector<32xbf16>
        %min3A_355 = arith.minimumf %bitcast3A_353, %bitcast3A_354 : vector<32xbf16>
        %bitcast3A_356 = vector.bitcast %min3A_355 : vector<32xbf16> to vector<16xi32>
        tpu.vector_store_idx %arg9[%get3A_195], %bitcast3A_356 masked %eq3A_206 : memref<10000xi32, #tpu.memory_space<vmem>>[vector<16xi32>], vector<16xi32>, vector<16xi1>
        %bitcast3A_357 = vector.bitcast %gather3A_352 : vector<16xi32> to vector<32xbf16>
        %bitcast3A_358 = vector.bitcast %gather3A_214 : vector<16xi32> to vector<32xbf16>
        %min3A_359 = arith.minimumf %bitcast3A_357, %bitcast3A_358 : vector<32xbf16>
        %bitcast3A_360 = vector.bitcast %min3A_359 : vector<32xbf16> to vector<16xi32>
        tpu.vector_store_idx %arg10[%get3A_195], %bitcast3A_360 masked %eq3A_206 : memref<10000xi32, #tpu.memory_space<vmem>>[vector<16xi32>], vector<16xi32>, vector<16xi1>
        %gather3A_361 = tpu.vector_load_idx %arg7[%get3A_222] : memref<10000xi32, #tpu.memory_space<vmem>>[vector<16xi32>], vector<16xi32>,
        %gather3A_362 = tpu.vector_load_idx %arg8[%get3A_222] : memref<10000xi32, #tpu.memory_space<vmem>>[vector<16xi32>], vector<16xi32>,
        %bitcast3A_363 = vector.bitcast %gather3A_361 : vector<16xi32> to vector<32xbf16>
        %bitcast3A_364 = vector.bitcast %gather3A_237 : vector<16xi32> to vector<32xbf16>
        %min3A_365 = arith.minimumf %bitcast3A_363, %bitcast3A_364 : vector<32xbf16>
        %bitcast3A_366 = vector.bitcast %min3A_365 : vector<32xbf16> to vector<16xi32>
        tpu.vector_store_idx %arg7[%get3A_222], %bitcast3A_366 masked %eq3A_233 : memref<10000xi32, #tpu.memory_space<vmem>>[vector<16xi32>], vector<16xi32>, vector<16xi1>
        %bitcast3A_367 = vector.bitcast %gather3A_362 : vector<16xi32> to vector<32xbf16>
        %bitcast3A_368 = vector.bitcast %gather3A_241 : vector<16xi32> to vector<32xbf16>
        %min3A_369 = arith.minimumf %bitcast3A_367, %bitcast3A_368 : vector<32xbf16>
        %bitcast3A_370 = vector.bitcast %min3A_369 : vector<32xbf16> to vector<16xi32>
        tpu.vector_store_idx %arg8[%get3A_222], %bitcast3A_370 masked %eq3A_233 : memref<10000xi32, #tpu.memory_space<vmem>>[vector<16xi32>], vector<16xi32>, vector<16xi1>
        %gather3A_371 = tpu.vector_load_idx %arg9[%get3A_249] : memref<10000xi32, #tpu.memory_space<vmem>>[vector<16xi32>], vector<16xi32>,
        %gather3A_372 = tpu.vector_load_idx %arg10[%get3A_249] : memref<10000xi32, #tpu.memory_space<vmem>>[vector<16xi32>], vector<16xi32>,
        %bitcast3A_373 = vector.bitcast %gather3A_371 : vector<16xi32> to vector<32xbf16>
        %bitcast3A_374 = vector.bitcast %gather3A_264 : vector<16xi32> to vector<32xbf16>
        %min3A_375 = arith.minimumf %bitcast3A_373, %bitcast3A_374 : vector<32xbf16>
        %bitcast3A_376 = vector.bitcast %min3A_375 : vector<32xbf16> to vector<16xi32>
        tpu.vector_store_idx %arg9[%get3A_249], %bitcast3A_376 masked %eq3A_260 : memref<10000xi32, #tpu.memory_space<vmem>>[vector<16xi32>], vector<16xi32>, vector<16xi1>
        %bitcast3A_377 = vector.bitcast %gather3A_372 : vector<16xi32> to vector<32xbf16>
        %bitcast3A_378 = vector.bitcast %gather3A_268 : vector<16xi32> to vector<32xbf16>
        %min3A_379 = arith.minimumf %bitcast3A_377, %bitcast3A_378 : vector<32xbf16>
        %bitcast3A_380 = vector.bitcast %min3A_379 : vector<32xbf16> to vector<16xi32>
        tpu.vector_store_idx %arg10[%get3A_249], %bitcast3A_380 masked %eq3A_260 : memref<10000xi32, #tpu.memory_space<vmem>>[vector<16xi32>], vector<16xi32>, vector<16xi1>
        %gather3A_381 = tpu.vector_load_idx %arg7[%get3A_276] : memref<10000xi32, #tpu.memory_space<vmem>>[vector<16xi32>], vector<16xi32>,
        %gather3A_382 = tpu.vector_load_idx %arg8[%get3A_276] : memref<10000xi32, #tpu.memory_space<vmem>>[vector<16xi32>], vector<16xi32>,
        %bitcast3A_383 = vector.bitcast %gather3A_381 : vector<16xi32> to vector<32xbf16>
        %bitcast3A_384 = vector.bitcast %gather3A_291 : vector<16xi32> to vector<32xbf16>
        %min3A_385 = arith.minimumf %bitcast3A_383, %bitcast3A_384 : vector<32xbf16>
        %bitcast3A_386 = vector.bitcast %min3A_385 : vector<32xbf16> to vector<16xi32>
        tpu.vector_store_idx %arg7[%get3A_276], %bitcast3A_386 masked %eq3A_287 : memref<10000xi32, #tpu.memory_space<vmem>>[vector<16xi32>], vector<16xi32>, vector<16xi1>
        %bitcast3A_387 = vector.bitcast %gather3A_382 : vector<16xi32> to vector<32xbf16>
        %bitcast3A_388 = vector.bitcast %gather3A_295 : vector<16xi32> to vector<32xbf16>
        %min3A_389 = arith.minimumf %bitcast3A_387, %bitcast3A_388 : vector<32xbf16>
        %bitcast3A_390 = vector.bitcast %min3A_389 : vector<32xbf16> to vector<16xi32>
        tpu.vector_store_idx %arg8[%get3A_276], %bitcast3A_390 masked %eq3A_287 : memref<10000xi32, #tpu.memory_space<vmem>>[vector<16xi32>], vector<16xi32>, vector<16xi1>
        %gather3A_391 = tpu.vector_load_idx %arg9[%get3A_303] : memref<10000xi32, #tpu.memory_space<vmem>>[vector<16xi32>], vector<16xi32>,
        %gather3A_392 = tpu.vector_load_idx %arg10[%get3A_303] : memref<10000xi32, #tpu.memory_space<vmem>>[vector<16xi32>], vector<16xi32>,
        %bitcast3A_393 = vector.bitcast %gather3A_391 : vector<16xi32> to vector<32xbf16>
        %bitcast3A_394 = vector.bitcast %gather3A_318 : vector<16xi32> to vector<32xbf16>
        %min3A_395 = arith.minimumf %bitcast3A_393, %bitcast3A_394 : vector<32xbf16>
        %bitcast3A_396 = vector.bitcast %min3A_395 : vector<32xbf16> to vector<16xi32>
        tpu.vector_store_idx %arg9[%get3A_303], %bitcast3A_396 masked %eq3A_314 : memref<10000xi32, #tpu.memory_space<vmem>>[vector<16xi32>], vector<16xi32>, vector<16xi1>
        %bitcast3A_397 = vector.bitcast %gather3A_392 : vector<16xi32> to vector<32xbf16>
        %bitcast3A_398 = vector.bitcast %gather3A_322 : vector<16xi32> to vector<32xbf16>
        %min3A_399 = arith.minimumf %bitcast3A_397, %bitcast3A_398 : vector<32xbf16>
        %bitcast3A_400 = vector.bitcast %min3A_399 : vector<32xbf16> to vector<16xi32>
        tpu.vector_store_idx %arg10[%get3A_303], %bitcast3A_400 masked %eq3A_314 : memref<10000xi32, #tpu.memory_space<vmem>>[vector<16xi32>], vector<16xi32>, vector<16xi1>
        %and3A_401 = arith.andi %eq3A_126, %eq3A_152 : vector<16xi1>
        %and3A_402 = arith.andi %and3A_401, %eq3A_179 : vector<16xi1>
        %and3A_403 = arith.andi %and3A_402, %eq3A_206 : vector<16xi1>
        %and3A_404 = arith.andi %and3A_403, %eq3A_233 : vector<16xi1>
        %and3A_405 = arith.andi %and3A_404, %eq3A_260 : vector<16xi1>
        %and3A_406 = arith.andi %and3A_405, %eq3A_287 : vector<16xi1>
        %and3A_407 = arith.andi %and3A_406, %eq3A_314 : vector<16xi1>
        %reduce_and3A = arith.constant 1.000000e+00 : f32
        %reduce_and3A_408 = arith.constant 0.000000e+00 : f32
        %reduce_and3A_409 = vector.broadcast %reduce_and3A : f32 to vector<16xf32>
        %reduce_and3A_410 = vector.broadcast %reduce_and3A_408 : f32 to vector<16xf32>
        %reduce_and3A_411 = arith.select %and3A_407, %reduce_and3A_409, %reduce_and3A_410 : vector<16xi1>, vector<16xf32>
        %reduce_and3A_412 = arith.constant true
        %reduce_and3A_413 = vector.broadcast %reduce_and3A_412 : i1 to vector<16xi1>
        %reduce_and3A_414 = tpu.scan <min>, %reduce_and3A_411 masked %reduce_and3A_413 : vector<16xf32>, vector<16xi1> -> vector<16xf32>
        %reduce_and3A_415 = vector.extract %reduce_and3A_414[15] : f32 from vector<16xf32>
        %reduce_and3A_416 = arith.constant 0.000000e+00 : f32
        %reduce_and3A_417 = arith.cmpf ogt, %reduce_and3A_415, %reduce_and3A_416 : f32
        %not3A = arith.constant true
        %not3A_418 = arith.xori %reduce_and3A_417, %not3A : i1
        %convert_element_type3A = arith.extui %not3A_418 : i1 to i32
        %cond3A = arith.constant 0 : i32
        %cond3A_419 = arith.cmpi ne, %convert_element_type3A, %cond3A : i32
        scf.if %cond3A_419 {
          %not3A_421 = arith.constant dense<true> : vector<16xi1>
          %not3A_422 = arith.xori %eq3A_126, %not3A_421 : vector<16xi1>
          %while3A = scf.while (%while3A_444 = %not3A_422) : (vector<16xi1>) -> vector<16xi1> {
            %reduce_or3A = arith.constant 1.000000e+00 : f32
            %reduce_or3A_445 = arith.constant 0.000000e+00 : f32
            %reduce_or3A_446 = vector.broadcast %reduce_or3A : f32 to vector<16xf32>
            %reduce_or3A_447 = vector.broadcast %reduce_or3A_445 : f32 to vector<16xf32>
            %reduce_or3A_448 = arith.select %while3A_444, %reduce_or3A_446, %reduce_or3A_447 : vector<16xi1>, vector<16xf32>
            %reduce_or3A_449 = arith.constant true
            %reduce_or3A_450 = vector.broadcast %reduce_or3A_449 : i1 to vector<16xi1>
            %reduce_or3A_451 = tpu.scan <max>, %reduce_or3A_448 masked %reduce_or3A_450 : vector<16xf32>, vector<16xi1> -> vector<16xf32>
            %reduce_or3A_452 = vector.extract %reduce_or3A_451[15] : f32 from vector<16xf32>
            %reduce_or3A_453 = arith.constant 0.000000e+00 : f32
            %reduce_or3A_454 = arith.cmpf ogt, %reduce_or3A_452, %reduce_or3A_453 : f32
            scf.condition(%reduce_or3A_454) %while3A_444 : vector<16xi1>
          } do {
          ^bb0(%while3A_444: vector<16xi1>):
            %unique3A_445, %unique3A_446 = tpu.scan_count mask(%while3A_444 : vector<16xi1>) value(%get3A_116 : vector<16xi32>) : vector<16xi1>, vector<16xi32>
            %eq3A_447 = arith.constant 1 : i32
            %eq3A_448 = vector.broadcast %eq3A_447 : i32 to vector<16xi32>
            %eq3A_449 = arith.cmpi eq, %unique3A_446, %eq3A_448 : vector<16xi32>
            %and3A_450 = arith.andi %while3A_444, %eq3A_449 : vector<16xi1>
            %gather3A_451 = tpu.vector_load_idx %arg7[%get3A_116] masked %and3A_450 : memref<10000xi32, #tpu.memory_space<vmem>>[vector<16xi32>], vector<16xi32>, vector<16xi1>
            %bitcast3A_452 = vector.bitcast %gather3A_451 : vector<16xi32> to vector<32xbf16>
            %bitcast3A_453 = vector.bitcast %gather3A : vector<16xi32> to vector<32xbf16>
            %min3A_454 = arith.minimumf %bitcast3A_452, %bitcast3A_453 : vector<32xbf16>
            %bitcast3A_455 = vector.bitcast %min3A_454 : vector<32xbf16> to vector<16xi32>
            tpu.vector_store_idx %arg7[%get3A_116], %bitcast3A_455 masked %and3A_450 : memref<10000xi32, #tpu.memory_space<vmem>>[vector<16xi32>], vector<16xi32>, vector<16xi1>
            %gather3A_456 = tpu.vector_load_idx %arg8[%get3A_116] masked %and3A_450 : memref<10000xi32, #tpu.memory_space<vmem>>[vector<16xi32>], vector<16xi32>, vector<16xi1>
            %bitcast3A_457 = vector.bitcast %gather3A_456 : vector<16xi32> to vector<32xbf16>
            %bitcast3A_458 = vector.bitcast %gather3A_133 : vector<16xi32> to vector<32xbf16>
            %min3A_459 = arith.minimumf %bitcast3A_457, %bitcast3A_458 : vector<32xbf16>
            %bitcast3A_460 = vector.bitcast %min3A_459 : vector<32xbf16> to vector<16xi32>
            tpu.vector_store_idx %arg8[%get3A_116], %bitcast3A_460 masked %and3A_450 : memref<10000xi32, #tpu.memory_space<vmem>>[vector<16xi32>], vector<16xi32>, vector<16xi1>
            %not3A_461 = arith.constant dense<true> : vector<16xi1>
            %not3A_462 = arith.xori %and3A_450, %not3A_461 : vector<16xi1>
            %and3A_463 = arith.andi %while3A_444, %not3A_462 : vector<16xi1>
            scf.yield %and3A_463 : vector<16xi1>
          }
          %not3A_423 = arith.constant dense<true> : vector<16xi1>
          %not3A_424 = arith.xori %eq3A_152, %not3A_423 : vector<16xi1>
          %while3A_425 = scf.while (%while3A_444 = %not3A_424) : (vector<16xi1>) -> vector<16xi1> {
            %reduce_or3A = arith.constant 1.000000e+00 : f32
            %reduce_or3A_445 = arith.constant 0.000000e+00 : f32
            %reduce_or3A_446 = vector.broadcast %reduce_or3A : f32 to vector<16xf32>
            %reduce_or3A_447 = vector.broadcast %reduce_or3A_445 : f32 to vector<16xf32>
            %reduce_or3A_448 = arith.select %while3A_444, %reduce_or3A_446, %reduce_or3A_447 : vector<16xi1>, vector<16xf32>
            %reduce_or3A_449 = arith.constant true
            %reduce_or3A_450 = vector.broadcast %reduce_or3A_449 : i1 to vector<16xi1>
            %reduce_or3A_451 = tpu.scan <max>, %reduce_or3A_448 masked %reduce_or3A_450 : vector<16xf32>, vector<16xi1> -> vector<16xf32>
            %reduce_or3A_452 = vector.extract %reduce_or3A_451[15] : f32 from vector<16xf32>
            %reduce_or3A_453 = arith.constant 0.000000e+00 : f32
            %reduce_or3A_454 = arith.cmpf ogt, %reduce_or3A_452, %reduce_or3A_453 : f32
            scf.condition(%reduce_or3A_454) %while3A_444 : vector<16xi1>
          } do {
          ^bb0(%while3A_444: vector<16xi1>):
            %unique3A_445, %unique3A_446 = tpu.scan_count mask(%while3A_444 : vector<16xi1>) value(%get3A_141 : vector<16xi32>) : vector<16xi1>, vector<16xi32>
            %eq3A_447 = arith.constant 1 : i32
            %eq3A_448 = vector.broadcast %eq3A_447 : i32 to vector<16xi32>
            %eq3A_449 = arith.cmpi eq, %unique3A_446, %eq3A_448 : vector<16xi32>
            %and3A_450 = arith.andi %while3A_444, %eq3A_449 : vector<16xi1>
            %gather3A_451 = tpu.vector_load_idx %arg9[%get3A_141] masked %and3A_450 : memref<10000xi32, #tpu.memory_space<vmem>>[vector<16xi32>], vector<16xi32>, vector<16xi1>
            %bitcast3A_452 = vector.bitcast %gather3A_451 : vector<16xi32> to vector<32xbf16>
            %bitcast3A_453 = vector.bitcast %gather3A_156 : vector<16xi32> to vector<32xbf16>
            %min3A_454 = arith.minimumf %bitcast3A_452, %bitcast3A_453 : vector<32xbf16>
            %bitcast3A_455 = vector.bitcast %min3A_454 : vector<32xbf16> to vector<16xi32>
            tpu.vector_store_idx %arg9[%get3A_141], %bitcast3A_455 masked %and3A_450 : memref<10000xi32, #tpu.memory_space<vmem>>[vector<16xi32>], vector<16xi32>, vector<16xi1>
            %gather3A_456 = tpu.vector_load_idx %arg10[%get3A_141] masked %and3A_450 : memref<10000xi32, #tpu.memory_space<vmem>>[vector<16xi32>], vector<16xi32>, vector<16xi1>
            %bitcast3A_457 = vector.bitcast %gather3A_456 : vector<16xi32> to vector<32xbf16>
            %bitcast3A_458 = vector.bitcast %gather3A_160 : vector<16xi32> to vector<32xbf16>
            %min3A_459 = arith.minimumf %bitcast3A_457, %bitcast3A_458 : vector<32xbf16>
            %bitcast3A_460 = vector.bitcast %min3A_459 : vector<32xbf16> to vector<16xi32>
            tpu.vector_store_idx %arg10[%get3A_141], %bitcast3A_460 masked %and3A_450 : memref<10000xi32, #tpu.memory_space<vmem>>[vector<16xi32>], vector<16xi32>, vector<16xi1>
            %not3A_461 = arith.constant dense<true> : vector<16xi1>
            %not3A_462 = arith.xori %and3A_450, %not3A_461 : vector<16xi1>
            %and3A_463 = arith.andi %while3A_444, %not3A_462 : vector<16xi1>
            scf.yield %and3A_463 : vector<16xi1>
          }
          %not3A_426 = arith.constant dense<true> : vector<16xi1>
          %not3A_427 = arith.xori %eq3A_179, %not3A_426 : vector<16xi1>
          %while3A_428 = scf.while (%while3A_444 = %not3A_427) : (vector<16xi1>) -> vector<16xi1> {
            %reduce_or3A = arith.constant 1.000000e+00 : f32
            %reduce_or3A_445 = arith.constant 0.000000e+00 : f32
            %reduce_or3A_446 = vector.broadcast %reduce_or3A : f32 to vector<16xf32>
            %reduce_or3A_447 = vector.broadcast %reduce_or3A_445 : f32 to vector<16xf32>
            %reduce_or3A_448 = arith.select %while3A_444, %reduce_or3A_446, %reduce_or3A_447 : vector<16xi1>, vector<16xf32>
            %reduce_or3A_449 = arith.constant true
            %reduce_or3A_450 = vector.broadcast %reduce_or3A_449 : i1 to vector<16xi1>
            %reduce_or3A_451 = tpu.scan <max>, %reduce_or3A_448 masked %reduce_or3A_450 : vector<16xf32>, vector<16xi1> -> vector<16xf32>
            %reduce_or3A_452 = vector.extract %reduce_or3A_451[15] : f32 from vector<16xf32>
            %reduce_or3A_453 = arith.constant 0.000000e+00 : f32
            %reduce_or3A_454 = arith.cmpf ogt, %reduce_or3A_452, %reduce_or3A_453 : f32
            scf.condition(%reduce_or3A_454) %while3A_444 : vector<16xi1>
          } do {
          ^bb0(%while3A_444: vector<16xi1>):
            %unique3A_445, %unique3A_446 = tpu.scan_count mask(%while3A_444 : vector<16xi1>) value(%get3A_168 : vector<16xi32>) : vector<16xi1>, vector<16xi32>
            %eq3A_447 = arith.constant 1 : i32
            %eq3A_448 = vector.broadcast %eq3A_447 : i32 to vector<16xi32>
            %eq3A_449 = arith.cmpi eq, %unique3A_446, %eq3A_448 : vector<16xi32>
            %and3A_450 = arith.andi %while3A_444, %eq3A_449 : vector<16xi1>
            %gather3A_451 = tpu.vector_load_idx %arg7[%get3A_168] masked %and3A_450 : memref<10000xi32, #tpu.memory_space<vmem>>[vector<16xi32>], vector<16xi32>, vector<16xi1>
            %bitcast3A_452 = vector.bitcast %gather3A_451 : vector<16xi32> to vector<32xbf16>
            %bitcast3A_453 = vector.bitcast %gather3A_183 : vector<16xi32> to vector<32xbf16>
            %min3A_454 = arith.minimumf %bitcast3A_452, %bitcast3A_453 : vector<32xbf16>
            %bitcast3A_455 = vector.bitcast %min3A_454 : vector<32xbf16> to vector<16xi32>
            tpu.vector_store_idx %arg7[%get3A_168], %bitcast3A_455 masked %and3A_450 : memref<10000xi32, #tpu.memory_space<vmem>>[vector<16xi32>], vector<16xi32>, vector<16xi1>
            %gather3A_456 = tpu.vector_load_idx %arg8[%get3A_168] masked %and3A_450 : memref<10000xi32, #tpu.memory_space<vmem>>[vector<16xi32>], vector<16xi32>, vector<16xi1>
            %bitcast3A_457 = vector.bitcast %gather3A_456 : vector<16xi32> to vector<32xbf16>
            %bitcast3A_458 = vector.bitcast %gather3A_187 : vector<16xi32> to vector<32xbf16>
            %min3A_459 = arith.minimumf %bitcast3A_457, %bitcast3A_458 : vector<32xbf16>
            %bitcast3A_460 = vector.bitcast %min3A_459 : vector<32xbf16> to vector<16xi32>
            tpu.vector_store_idx %arg8[%get3A_168], %bitcast3A_460 masked %and3A_450 : memref<10000xi32, #tpu.memory_space<vmem>>[vector<16xi32>], vector<16xi32>, vector<16xi1>
            %not3A_461 = arith.constant dense<true> : vector<16xi1>
            %not3A_462 = arith.xori %and3A_450, %not3A_461 : vector<16xi1>
            %and3A_463 = arith.andi %while3A_444, %not3A_462 : vector<16xi1>
            scf.yield %and3A_463 : vector<16xi1>
          }
          %not3A_429 = arith.constant dense<true> : vector<16xi1>
          %not3A_430 = arith.xori %eq3A_206, %not3A_429 : vector<16xi1>
          %while3A_431 = scf.while (%while3A_444 = %not3A_430) : (vector<16xi1>) -> vector<16xi1> {
            %reduce_or3A = arith.constant 1.000000e+00 : f32
            %reduce_or3A_445 = arith.constant 0.000000e+00 : f32
            %reduce_or3A_446 = vector.broadcast %reduce_or3A : f32 to vector<16xf32>
            %reduce_or3A_447 = vector.broadcast %reduce_or3A_445 : f32 to vector<16xf32>
            %reduce_or3A_448 = arith.select %while3A_444, %reduce_or3A_446, %reduce_or3A_447 : vector<16xi1>, vector<16xf32>
            %reduce_or3A_449 = arith.constant true
            %reduce_or3A_450 = vector.broadcast %reduce_or3A_449 : i1 to vector<16xi1>
            %reduce_or3A_451 = tpu.scan <max>, %reduce_or3A_448 masked %reduce_or3A_450 : vector<16xf32>, vector<16xi1> -> vector<16xf32>
            %reduce_or3A_452 = vector.extract %reduce_or3A_451[15] : f32 from vector<16xf32>
            %reduce_or3A_453 = arith.constant 0.000000e+00 : f32
            %reduce_or3A_454 = arith.cmpf ogt, %reduce_or3A_452, %reduce_or3A_453 : f32
            scf.condition(%reduce_or3A_454) %while3A_444 : vector<16xi1>
          } do {
          ^bb0(%while3A_444: vector<16xi1>):
            %unique3A_445, %unique3A_446 = tpu.scan_count mask(%while3A_444 : vector<16xi1>) value(%get3A_195 : vector<16xi32>) : vector<16xi1>, vector<16xi32>
            %eq3A_447 = arith.constant 1 : i32
            %eq3A_448 = vector.broadcast %eq3A_447 : i32 to vector<16xi32>
            %eq3A_449 = arith.cmpi eq, %unique3A_446, %eq3A_448 : vector<16xi32>
            %and3A_450 = arith.andi %while3A_444, %eq3A_449 : vector<16xi1>
            %gather3A_451 = tpu.vector_load_idx %arg9[%get3A_195] masked %and3A_450 : memref<10000xi32, #tpu.memory_space<vmem>>[vector<16xi32>], vector<16xi32>, vector<16xi1>
            %bitcast3A_452 = vector.bitcast %gather3A_451 : vector<16xi32> to vector<32xbf16>
            %bitcast3A_453 = vector.bitcast %gather3A_210 : vector<16xi32> to vector<32xbf16>
            %min3A_454 = arith.minimumf %bitcast3A_452, %bitcast3A_453 : vector<32xbf16>
            %bitcast3A_455 = vector.bitcast %min3A_454 : vector<32xbf16> to vector<16xi32>
            tpu.vector_store_idx %arg9[%get3A_195], %bitcast3A_455 masked %and3A_450 : memref<10000xi32, #tpu.memory_space<vmem>>[vector<16xi32>], vector<16xi32>, vector<16xi1>
            %gather3A_456 = tpu.vector_load_idx %arg10[%get3A_195] masked %and3A_450 : memref<10000xi32, #tpu.memory_space<vmem>>[vector<16xi32>], vector<16xi32>, vector<16xi1>
            %bitcast3A_457 = vector.bitcast %gather3A_456 : vector<16xi32> to vector<32xbf16>
            %bitcast3A_458 = vector.bitcast %gather3A_214 : vector<16xi32> to vector<32xbf16>
            %min3A_459 = arith.minimumf %bitcast3A_457, %bitcast3A_458 : vector<32xbf16>
            %bitcast3A_460 = vector.bitcast %min3A_459 : vector<32xbf16> to vector<16xi32>
            tpu.vector_store_idx %arg10[%get3A_195], %bitcast3A_460 masked %and3A_450 : memref<10000xi32, #tpu.memory_space<vmem>>[vector<16xi32>], vector<16xi32>, vector<16xi1>
            %not3A_461 = arith.constant dense<true> : vector<16xi1>
            %not3A_462 = arith.xori %and3A_450, %not3A_461 : vector<16xi1>
            %and3A_463 = arith.andi %while3A_444, %not3A_462 : vector<16xi1>
            scf.yield %and3A_463 : vector<16xi1>
          }
          %not3A_432 = arith.constant dense<true> : vector<16xi1>
          %not3A_433 = arith.xori %eq3A_233, %not3A_432 : vector<16xi1>
          %while3A_434 = scf.while (%while3A_444 = %not3A_433) : (vector<16xi1>) -> vector<16xi1> {
            %reduce_or3A = arith.constant 1.000000e+00 : f32
            %reduce_or3A_445 = arith.constant 0.000000e+00 : f32
            %reduce_or3A_446 = vector.broadcast %reduce_or3A : f32 to vector<16xf32>
            %reduce_or3A_447 = vector.broadcast %reduce_or3A_445 : f32 to vector<16xf32>
            %reduce_or3A_448 = arith.select %while3A_444, %reduce_or3A_446, %reduce_or3A_447 : vector<16xi1>, vector<16xf32>
            %reduce_or3A_449 = arith.constant true
            %reduce_or3A_450 = vector.broadcast %reduce_or3A_449 : i1 to vector<16xi1>
            %reduce_or3A_451 = tpu.scan <max>, %reduce_or3A_448 masked %reduce_or3A_450 : vector<16xf32>, vector<16xi1> -> vector<16xf32>
            %reduce_or3A_452 = vector.extract %reduce_or3A_451[15] : f32 from vector<16xf32>
            %reduce_or3A_453 = arith.constant 0.000000e+00 : f32
            %reduce_or3A_454 = arith.cmpf ogt, %reduce_or3A_452, %reduce_or3A_453 : f32
            scf.condition(%reduce_or3A_454) %while3A_444 : vector<16xi1>
          } do {
          ^bb0(%while3A_444: vector<16xi1>):
            %unique3A_445, %unique3A_446 = tpu.scan_count mask(%while3A_444 : vector<16xi1>) value(%get3A_222 : vector<16xi32>) : vector<16xi1>, vector<16xi32>
            %eq3A_447 = arith.constant 1 : i32
            %eq3A_448 = vector.broadcast %eq3A_447 : i32 to vector<16xi32>
            %eq3A_449 = arith.cmpi eq, %unique3A_446, %eq3A_448 : vector<16xi32>
            %and3A_450 = arith.andi %while3A_444, %eq3A_449 : vector<16xi1>
            %gather3A_451 = tpu.vector_load_idx %arg7[%get3A_222] masked %and3A_450 : memref<10000xi32, #tpu.memory_space<vmem>>[vector<16xi32>], vector<16xi32>, vector<16xi1>
            %bitcast3A_452 = vector.bitcast %gather3A_451 : vector<16xi32> to vector<32xbf16>
            %bitcast3A_453 = vector.bitcast %gather3A_237 : vector<16xi32> to vector<32xbf16>
            %min3A_454 = arith.minimumf %bitcast3A_452, %bitcast3A_453 : vector<32xbf16>
            %bitcast3A_455 = vector.bitcast %min3A_454 : vector<32xbf16> to vector<16xi32>
            tpu.vector_store_idx %arg7[%get3A_222], %bitcast3A_455 masked %and3A_450 : memref<10000xi32, #tpu.memory_space<vmem>>[vector<16xi32>], vector<16xi32>, vector<16xi1>
            %gather3A_456 = tpu.vector_load_idx %arg8[%get3A_222] masked %and3A_450 : memref<10000xi32, #tpu.memory_space<vmem>>[vector<16xi32>], vector<16xi32>, vector<16xi1>
            %bitcast3A_457 = vector.bitcast %gather3A_456 : vector<16xi32> to vector<32xbf16>
            %bitcast3A_458 = vector.bitcast %gather3A_241 : vector<16xi32> to vector<32xbf16>
            %min3A_459 = arith.minimumf %bitcast3A_457, %bitcast3A_458 : vector<32xbf16>
            %bitcast3A_460 = vector.bitcast %min3A_459 : vector<32xbf16> to vector<16xi32>
            tpu.vector_store_idx %arg8[%get3A_222], %bitcast3A_460 masked %and3A_450 : memref<10000xi32, #tpu.memory_space<vmem>>[vector<16xi32>], vector<16xi32>, vector<16xi1>
            %not3A_461 = arith.constant dense<true> : vector<16xi1>
            %not3A_462 = arith.xori %and3A_450, %not3A_461 : vector<16xi1>
            %and3A_463 = arith.andi %while3A_444, %not3A_462 : vector<16xi1>
            scf.yield %and3A_463 : vector<16xi1>
          }
          %not3A_435 = arith.constant dense<true> : vector<16xi1>
          %not3A_436 = arith.xori %eq3A_260, %not3A_435 : vector<16xi1>
          %while3A_437 = scf.while (%while3A_444 = %not3A_436) : (vector<16xi1>) -> vector<16xi1> {
            %reduce_or3A = arith.constant 1.000000e+00 : f32
            %reduce_or3A_445 = arith.constant 0.000000e+00 : f32
            %reduce_or3A_446 = vector.broadcast %reduce_or3A : f32 to vector<16xf32>
            %reduce_or3A_447 = vector.broadcast %reduce_or3A_445 : f32 to vector<16xf32>
            %reduce_or3A_448 = arith.select %while3A_444, %reduce_or3A_446, %reduce_or3A_447 : vector<16xi1>, vector<16xf32>
            %reduce_or3A_449 = arith.constant true
            %reduce_or3A_450 = vector.broadcast %reduce_or3A_449 : i1 to vector<16xi1>
            %reduce_or3A_451 = tpu.scan <max>, %reduce_or3A_448 masked %reduce_or3A_450 : vector<16xf32>, vector<16xi1> -> vector<16xf32>
            %reduce_or3A_452 = vector.extract %reduce_or3A_451[15] : f32 from vector<16xf32>
            %reduce_or3A_453 = arith.constant 0.000000e+00 : f32
            %reduce_or3A_454 = arith.cmpf ogt, %reduce_or3A_452, %reduce_or3A_453 : f32
            scf.condition(%reduce_or3A_454) %while3A_444 : vector<16xi1>
          } do {
          ^bb0(%while3A_444: vector<16xi1>):
            %unique3A_445, %unique3A_446 = tpu.scan_count mask(%while3A_444 : vector<16xi1>) value(%get3A_249 : vector<16xi32>) : vector<16xi1>, vector<16xi32>
            %eq3A_447 = arith.constant 1 : i32
            %eq3A_448 = vector.broadcast %eq3A_447 : i32 to vector<16xi32>
            %eq3A_449 = arith.cmpi eq, %unique3A_446, %eq3A_448 : vector<16xi32>
            %and3A_450 = arith.andi %while3A_444, %eq3A_449 : vector<16xi1>
            %gather3A_451 = tpu.vector_load_idx %arg9[%get3A_249] masked %and3A_450 : memref<10000xi32, #tpu.memory_space<vmem>>[vector<16xi32>], vector<16xi32>, vector<16xi1>
            %bitcast3A_452 = vector.bitcast %gather3A_451 : vector<16xi32> to vector<32xbf16>
            %bitcast3A_453 = vector.bitcast %gather3A_264 : vector<16xi32> to vector<32xbf16>
            %min3A_454 = arith.minimumf %bitcast3A_452, %bitcast3A_453 : vector<32xbf16>
            %bitcast3A_455 = vector.bitcast %min3A_454 : vector<32xbf16> to vector<16xi32>
            tpu.vector_store_idx %arg9[%get3A_249], %bitcast3A_455 masked %and3A_450 : memref<10000xi32, #tpu.memory_space<vmem>>[vector<16xi32>], vector<16xi32>, vector<16xi1>
            %gather3A_456 = tpu.vector_load_idx %arg10[%get3A_249] masked %and3A_450 : memref<10000xi32, #tpu.memory_space<vmem>>[vector<16xi32>], vector<16xi32>, vector<16xi1>
            %bitcast3A_457 = vector.bitcast %gather3A_456 : vector<16xi32> to vector<32xbf16>
            %bitcast3A_458 = vector.bitcast %gather3A_268 : vector<16xi32> to vector<32xbf16>
            %min3A_459 = arith.minimumf %bitcast3A_457, %bitcast3A_458 : vector<32xbf16>
            %bitcast3A_460 = vector.bitcast %min3A_459 : vector<32xbf16> to vector<16xi32>
            tpu.vector_store_idx %arg10[%get3A_249], %bitcast3A_460 masked %and3A_450 : memref<10000xi32, #tpu.memory_space<vmem>>[vector<16xi32>], vector<16xi32>, vector<16xi1>
            %not3A_461 = arith.constant dense<true> : vector<16xi1>
            %not3A_462 = arith.xori %and3A_450, %not3A_461 : vector<16xi1>
            %and3A_463 = arith.andi %while3A_444, %not3A_462 : vector<16xi1>
            scf.yield %and3A_463 : vector<16xi1>
          }
          %not3A_438 = arith.constant dense<true> : vector<16xi1>
          %not3A_439 = arith.xori %eq3A_287, %not3A_438 : vector<16xi1>
          %while3A_440 = scf.while (%while3A_444 = %not3A_439) : (vector<16xi1>) -> vector<16xi1> {
            %reduce_or3A = arith.constant 1.000000e+00 : f32
            %reduce_or3A_445 = arith.constant 0.000000e+00 : f32
            %reduce_or3A_446 = vector.broadcast %reduce_or3A : f32 to vector<16xf32>
            %reduce_or3A_447 = vector.broadcast %reduce_or3A_445 : f32 to vector<16xf32>
            %reduce_or3A_448 = arith.select %while3A_444, %reduce_or3A_446, %reduce_or3A_447 : vector<16xi1>, vector<16xf32>
            %reduce_or3A_449 = arith.constant true
            %reduce_or3A_450 = vector.broadcast %reduce_or3A_449 : i1 to vector<16xi1>
            %reduce_or3A_451 = tpu.scan <max>, %reduce_or3A_448 masked %reduce_or3A_450 : vector<16xf32>, vector<16xi1> -> vector<16xf32>
            %reduce_or3A_452 = vector.extract %reduce_or3A_451[15] : f32 from vector<16xf32>
            %reduce_or3A_453 = arith.constant 0.000000e+00 : f32
            %reduce_or3A_454 = arith.cmpf ogt, %reduce_or3A_452, %reduce_or3A_453 : f32
            scf.condition(%reduce_or3A_454) %while3A_444 : vector<16xi1>
          } do {
          ^bb0(%while3A_444: vector<16xi1>):
            %unique3A_445, %unique3A_446 = tpu.scan_count mask(%while3A_444 : vector<16xi1>) value(%get3A_276 : vector<16xi32>) : vector<16xi1>, vector<16xi32>
            %eq3A_447 = arith.constant 1 : i32
            %eq3A_448 = vector.broadcast %eq3A_447 : i32 to vector<16xi32>
            %eq3A_449 = arith.cmpi eq, %unique3A_446, %eq3A_448 : vector<16xi32>
            %and3A_450 = arith.andi %while3A_444, %eq3A_449 : vector<16xi1>
            %gather3A_451 = tpu.vector_load_idx %arg7[%get3A_276] masked %and3A_450 : memref<10000xi32, #tpu.memory_space<vmem>>[vector<16xi32>], vector<16xi32>, vector<16xi1>
            %bitcast3A_452 = vector.bitcast %gather3A_451 : vector<16xi32> to vector<32xbf16>
            %bitcast3A_453 = vector.bitcast %gather3A_291 : vector<16xi32> to vector<32xbf16>
            %min3A_454 = arith.minimumf %bitcast3A_452, %bitcast3A_453 : vector<32xbf16>
            %bitcast3A_455 = vector.bitcast %min3A_454 : vector<32xbf16> to vector<16xi32>
            tpu.vector_store_idx %arg7[%get3A_276], %bitcast3A_455 masked %and3A_450 : memref<10000xi32, #tpu.memory_space<vmem>>[vector<16xi32>], vector<16xi32>, vector<16xi1>
            %gather3A_456 = tpu.vector_load_idx %arg8[%get3A_276] masked %and3A_450 : memref<10000xi32, #tpu.memory_space<vmem>>[vector<16xi32>], vector<16xi32>, vector<16xi1>
            %bitcast3A_457 = vector.bitcast %gather3A_456 : vector<16xi32> to vector<32xbf16>
            %bitcast3A_458 = vector.bitcast %gather3A_295 : vector<16xi32> to vector<32xbf16>
            %min3A_459 = arith.minimumf %bitcast3A_457, %bitcast3A_458 : vector<32xbf16>
            %bitcast3A_460 = vector.bitcast %min3A_459 : vector<32xbf16> to vector<16xi32>
            tpu.vector_store_idx %arg8[%get3A_276], %bitcast3A_460 masked %and3A_450 : memref<10000xi32, #tpu.memory_space<vmem>>[vector<16xi32>], vector<16xi32>, vector<16xi1>
            %not3A_461 = arith.constant dense<true> : vector<16xi1>
            %not3A_462 = arith.xori %and3A_450, %not3A_461 : vector<16xi1>
            %and3A_463 = arith.andi %while3A_444, %not3A_462 : vector<16xi1>
            scf.yield %and3A_463 : vector<16xi1>
          }
          %not3A_441 = arith.constant dense<true> : vector<16xi1>
          %not3A_442 = arith.xori %eq3A_314, %not3A_441 : vector<16xi1>
          %while3A_443 = scf.while (%while3A_444 = %not3A_442) : (vector<16xi1>) -> vector<16xi1> {
            %reduce_or3A = arith.constant 1.000000e+00 : f32
            %reduce_or3A_445 = arith.constant 0.000000e+00 : f32
            %reduce_or3A_446 = vector.broadcast %reduce_or3A : f32 to vector<16xf32>
            %reduce_or3A_447 = vector.broadcast %reduce_or3A_445 : f32 to vector<16xf32>
            %reduce_or3A_448 = arith.select %while3A_444, %reduce_or3A_446, %reduce_or3A_447 : vector<16xi1>, vector<16xf32>
            %reduce_or3A_449 = arith.constant true
            %reduce_or3A_450 = vector.broadcast %reduce_or3A_449 : i1 to vector<16xi1>
            %reduce_or3A_451 = tpu.scan <max>, %reduce_or3A_448 masked %reduce_or3A_450 : vector<16xf32>, vector<16xi1> -> vector<16xf32>
            %reduce_or3A_452 = vector.extract %reduce_or3A_451[15] : f32 from vector<16xf32>
            %reduce_or3A_453 = arith.constant 0.000000e+00 : f32
            %reduce_or3A_454 = arith.cmpf ogt, %reduce_or3A_452, %reduce_or3A_453 : f32
            scf.condition(%reduce_or3A_454) %while3A_444 : vector<16xi1>
          } do {
          ^bb0(%while3A_444: vector<16xi1>):
            %unique3A_445, %unique3A_446 = tpu.scan_count mask(%while3A_444 : vector<16xi1>) value(%get3A_303 : vector<16xi32>) : vector<16xi1>, vector<16xi32>
            %eq3A_447 = arith.constant 1 : i32
            %eq3A_448 = vector.broadcast %eq3A_447 : i32 to vector<16xi32>
            %eq3A_449 = arith.cmpi eq, %unique3A_446, %eq3A_448 : vector<16xi32>
            %and3A_450 = arith.andi %while3A_444, %eq3A_449 : vector<16xi1>
            %gather3A_451 = tpu.vector_load_idx %arg9[%get3A_303] masked %and3A_450 : memref<10000xi32, #tpu.memory_space<vmem>>[vector<16xi32>], vector<16xi32>, vector<16xi1>
            %bitcast3A_452 = vector.bitcast %gather3A_451 : vector<16xi32> to vector<32xbf16>
            %bitcast3A_453 = vector.bitcast %gather3A_318 : vector<16xi32> to vector<32xbf16>
            %min3A_454 = arith.minimumf %bitcast3A_452, %bitcast3A_453 : vector<32xbf16>
            %bitcast3A_455 = vector.bitcast %min3A_454 : vector<32xbf16> to vector<16xi32>
            tpu.vector_store_idx %arg9[%get3A_303], %bitcast3A_455 masked %and3A_450 : memref<10000xi32, #tpu.memory_space<vmem>>[vector<16xi32>], vector<16xi32>, vector<16xi1>
            %gather3A_456 = tpu.vector_load_idx %arg10[%get3A_303] masked %and3A_450 : memref<10000xi32, #tpu.memory_space<vmem>>[vector<16xi32>], vector<16xi32>, vector<16xi1>
            %bitcast3A_457 = vector.bitcast %gather3A_456 : vector<16xi32> to vector<32xbf16>
            %bitcast3A_458 = vector.bitcast %gather3A_322 : vector<16xi32> to vector<32xbf16>
            %min3A_459 = arith.minimumf %bitcast3A_457, %bitcast3A_458 : vector<32xbf16>
            %bitcast3A_460 = vector.bitcast %min3A_459 : vector<32xbf16> to vector<16xi32>
            tpu.vector_store_idx %arg10[%get3A_303], %bitcast3A_460 masked %and3A_450 : memref<10000xi32, #tpu.memory_space<vmem>>[vector<16xi32>], vector<16xi32>, vector<16xi1>
            %not3A_461 = arith.constant dense<true> : vector<16xi1>
            %not3A_462 = arith.xori %and3A_450, %not3A_461 : vector<16xi1>
            %and3A_463 = arith.andi %while3A_444, %not3A_462 : vector<16xi1>
            scf.yield %and3A_463 : vector<16xi1>
          }
        } else {
        }
        %scan3A_420 = arith.constant 0 : i32
        scf.yield %scan3A_420 : i32
      }
      %scan3A_106 = arith.constant 50 : i32
      %scan3A_107 = arith.constant 0 : i32
      scf.yield %scan3A_107 : i32
    }
    %scan3A_23 = arith.constant 25 : i32
    %dma_wait3A = arith.constant 0 : i32
    %dma_wait3A_24 = tpu.memref_slice %arg3[%dma_wait3A] : memref<320000xi32, #tpu.memory_space<hbm>> -> memref<6400xi32, #tpu.memory_space<hbm>>
    %dma_wait3A_25 = arith.constant 0 : i32
    %dma_wait3A_26 = tpu.memref_slice %arg3[%dma_wait3A_25] : memref<320000xi32, #tpu.memory_space<hbm>> -> memref<6400xi32, #tpu.memory_space<hbm>>
    tpu.wait_dma2 semaphore(%arg15 : memref<!tpu.dma_semaphore, #tpu.memory_space<semaphore_mem>>) src(%dma_wait3A_26 : memref<6400xi32, #tpu.memory_space<hbm>>) dst(%arg11 : memref<6400xi32, #tpu.memory_space<vmem>>)
    %dma_wait3A_27 = arith.constant 0 : i32
    %dma_wait3A_28 = tpu.memref_slice %arg4[%dma_wait3A_27] : memref<320000xi32, #tpu.memory_space<hbm>> -> memref<6400xi32, #tpu.memory_space<hbm>>
    %dma_wait3A_29 = arith.constant 0 : i32
    %dma_wait3A_30 = tpu.memref_slice %arg4[%dma_wait3A_29] : memref<320000xi32, #tpu.memory_space<hbm>> -> memref<6400xi32, #tpu.memory_space<hbm>>
    tpu.wait_dma2 semaphore(%arg16 : memref<!tpu.dma_semaphore, #tpu.memory_space<semaphore_mem>>) src(%dma_wait3A_30 : memref<6400xi32, #tpu.memory_space<hbm>>) dst(%arg12 : memref<6400xi32, #tpu.memory_space<vmem>>)
    %scan3A_31 = arith.constant 0 : i32
    %scan3A_32 = arith.constant 0 : i32
    %scan3A_33 = arith.constant 625 : i32
    %scan3A_34 = arith.addi %scan3A_32, %scan3A_33 : i32
    %scan3A_35 = arith.constant 1 : i32
    %scan3A_36 = scf.for %scan3A_42 = %scan3A_32 to %scan3A_34 step %scan3A_35 iter_args(%scan3A_43 = %scan3A_31) -> (i32)  : i32 {
      %mul3A_44 = arith.constant 16 : i32
      %mul3A_45 = arith.muli %scan3A_42, %mul3A_44 : i32
      %get3A = arith.index_cast %mul3A_45 : i32 to index
      %get3A_46 = tpu.vector_load %arg7[%get3A] {strides = array<i32>} : memref<10000xi32, #tpu.memory_space<vmem>>, vector<16xi32>,
      %get3A_47 = arith.index_cast %mul3A_45 : i32 to index
      %get3A_48 = tpu.vector_load %arg9[%get3A_47] {strides = array<i32>} : memref<10000xi32, #tpu.memory_space<vmem>>, vector<16xi32>,
      %bitcast3A = vector.bitcast %get3A_46 : vector<16xi32> to vector<32xbf16>
      %bitcast3A_49 = vector.bitcast %get3A_48 : vector<16xi32> to vector<32xbf16>
      %min3A = arith.minimumf %bitcast3A, %bitcast3A_49 : vector<32xbf16>
      %bitcast3A_50 = vector.bitcast %min3A : vector<32xbf16> to vector<16xi32>
      %swap3A = arith.index_cast %mul3A_45 : i32 to index
      %swap3A_51 = tpu.vector_load %arg7[%swap3A] {strides = array<i32>} : memref<10000xi32, #tpu.memory_space<vmem>>, vector<16xi32>,
      tpu.vector_store %arg7[%swap3A], %bitcast3A_50 {strides = array<i32>} : memref<10000xi32, #tpu.memory_space<vmem>>, vector<16xi32>,
      %get3A_52 = arith.index_cast %mul3A_45 : i32 to index
      %get3A_53 = tpu.vector_load %arg8[%get3A_52] {strides = array<i32>} : memref<10000xi32, #tpu.memory_space<vmem>>, vector<16xi32>,
      %get3A_54 = arith.index_cast %mul3A_45 : i32 to index
      %get3A_55 = tpu.vector_load %arg10[%get3A_54] {strides = array<i32>} : memref<10000xi32, #tpu.memory_space<vmem>>, vector<16xi32>,
      %bitcast3A_56 = vector.bitcast %get3A_53 : vector<16xi32> to vector<32xbf16>
      %bitcast3A_57 = vector.bitcast %get3A_55 : vector<16xi32> to vector<32xbf16>
      %min3A_58 = arith.minimumf %bitcast3A_56, %bitcast3A_57 : vector<32xbf16>
      %bitcast3A_59 = vector.bitcast %min3A_58 : vector<32xbf16> to vector<16xi32>
      %swap3A_60 = arith.index_cast %mul3A_45 : i32 to index
      %swap3A_61 = tpu.vector_load %arg8[%swap3A_60] {strides = array<i32>} : memref<10000xi32, #tpu.memory_space<vmem>>, vector<16xi32>,
      tpu.vector_store %arg8[%swap3A_60], %bitcast3A_59 {strides = array<i32>} : memref<10000xi32, #tpu.memory_space<vmem>>, vector<16xi32>,
      %scan3A_62 = arith.constant 0 : i32
      scf.yield %scan3A_62 : i32
    }
    %scan3A_37 = arith.constant 625 : i32
    %add3A_38 = arith.constant 0 : i32
    %add3A_39 = arith.addi %mul3A_2, %add3A_38 : i32
    "tpu.region"() ({
      %run_scoped3A = tpu.sem_alloc : memref<!tpu.dma_semaphore, #tpu.memory_space<semaphore_mem>>
      %dma_start3A_42 = tpu.memref_slice %arg5[%add3A_39] : memref<640000xi32, #tpu.memory_space<hbm>> -> memref<10000xi32, #tpu.memory_space<hbm>>
      %dma_start3A_43 = tpu.memref_slice %arg5[%add3A_39] : memref<640000xi32, #tpu.memory_space<hbm>> -> memref<10000xi32, #tpu.memory_space<hbm>>
      tpu.enqueue_dma source(%arg7 : memref<10000xi32, #tpu.memory_space<vmem>>) target(%dma_start3A_43 : memref<10000xi32, #tpu.memory_space<hbm>>) target_semaphore(%run_scoped3A : memref<!tpu.dma_semaphore, #tpu.memory_space<semaphore_mem>>)
      %dma_wait3A_44 = tpu.memref_slice %arg5[%add3A_39] : memref<640000xi32, #tpu.memory_space<hbm>> -> memref<10000xi32, #tpu.memory_space<hbm>>
      %dma_wait3A_45 = tpu.memref_slice %arg5[%add3A_39] : memref<640000xi32, #tpu.memory_space<hbm>> -> memref<10000xi32, #tpu.memory_space<hbm>>
      tpu.wait_dma2 semaphore(%run_scoped3A : memref<!tpu.dma_semaphore, #tpu.memory_space<semaphore_mem>>) src(%arg7 : memref<10000xi32, #tpu.memory_space<vmem>>) dst(%dma_wait3A_45 : memref<10000xi32, #tpu.memory_space<hbm>>)
      tpu.yield
    }) : () -> ()
    %add3A_40 = arith.constant 10000 : i32
    %add3A_41 = arith.addi %mul3A_2, %add3A_40 : i32
    "tpu.region"() ({
      %run_scoped3A = tpu.sem_alloc : memref<!tpu.dma_semaphore, #tpu.memory_space<semaphore_mem>>
      %dma_start3A_42 = tpu.memref_slice %arg5[%add3A_41] : memref<640000xi32, #tpu.memory_space<hbm>> -> memref<10000xi32, #tpu.memory_space<hbm>>
      %dma_start3A_43 = tpu.memref_slice %arg5[%add3A_41] : memref<640000xi32, #tpu.memory_space<hbm>> -> memref<10000xi32, #tpu.memory_space<hbm>>
      tpu.enqueue_dma source(%arg8 : memref<10000xi32, #tpu.memory_space<vmem>>) target(%dma_start3A_43 : memref<10000xi32, #tpu.memory_space<hbm>>) target_semaphore(%run_scoped3A : memref<!tpu.dma_semaphore, #tpu.memory_space<semaphore_mem>>)
      %dma_wait3A_44 = tpu.memref_slice %arg5[%add3A_41] : memref<640000xi32, #tpu.memory_space<hbm>> -> memref<10000xi32, #tpu.memory_space<hbm>>
      %dma_wait3A_45 = tpu.memref_slice %arg5[%add3A_41] : memref<640000xi32, #tpu.memory_space<hbm>> -> memref<10000xi32, #tpu.memory_space<hbm>>
      tpu.wait_dma2 semaphore(%run_scoped3A : memref<!tpu.dma_semaphore, #tpu.memory_space<semaphore_mem>>) src(%arg8 : memref<10000xi32, #tpu.memory_space<vmem>>) dst(%dma_wait3A_45 : memref<10000xi32, #tpu.memory_space<hbm>>)
      tpu.yield
    }) : () -> ()
    return
  }
}

module attributes {stable_mosaic.version = 14 : i64} {
  func.func @body(%arg0: memref<128x128xf32, #tpu.memory_space<vmem>>, %arg1: memref<10000x128xf32, #tpu.memory_space<vmem>>, %arg2: memref<128x10000xf32, #tpu.memory_space<vmem>>, %arg3: memref<64x10000xi32, #tpu.memory_space<vmem>>) attributes {dimension_semantics = [], scalar_prefetch = 0 : i64, scratch_operands = 0 : i64, tpu.core_type = #tpu.core_type<tc>} {
    %get3A = arith.constant 0 : index
    %get3A_0 = arith.constant 0 : index
    %get3A_1 = vector.load %arg0[%get3A, %get3A_0] : memref<128x128xf32, #tpu.memory_space<vmem>>, vector<128x128xf32>
    %get3A_2 = arith.constant 0 : index
    %get3A_3 = arith.constant 0 : index
    %get3A_4 = vector.load %arg1[%get3A_2, %get3A_3] : memref<10000x128xf32, #tpu.memory_space<vmem>>, vector<10000x128xf32>
    %dot_general3A = arith.constant dense<0.000000e+00> : vector<128x10000xf32>
    %dot_general3A_5 = tpu.matmul %get3A_1, %get3A_4, %dot_general3A {dimension_numbers = #tpu.dot_dimension_numbers<[1], [1], [0], [0], [0, 0, 1, 0], [], []>, transpose_lhs_hint = false} : vector<128x128xf32>, vector<10000x128xf32>, vector<128x10000xf32> -> vector<128x10000xf32>
    %swap3A = arith.constant 0 : index
    %swap3A_6 = arith.constant 0 : index
    %swap3A_7 = vector.load %arg2[%swap3A, %swap3A_6] : memref<128x10000xf32, #tpu.memory_space<vmem>>, vector<128x10000xf32>
    tpu.vector_store %arg2[%swap3A, %swap3A_6], %dot_general3A_5 {strides = array<i32>} : memref<128x10000xf32, #tpu.memory_space<vmem>>, vector<128x10000xf32>,
    %slice3A = vector.extract_strided_slice %dot_general3A_5 {offsets = [0, 0], sizes = [64, 10000], strides = [1, 1]} : vector<128x10000xf32> to vector<64x10000xf32>
    %convert_element_type3A = arith.truncf %slice3A : vector<64x10000xf32> to vector<64x10000xbf16>
    %bitcast_convert_type3A = tpu.bitcast %convert_element_type3A : vector<64x10000xbf16> -> vector<64x10000xi16>
    %convert_element_type3A_8 = arith.extui %bitcast_convert_type3A : vector<64x10000xi16> to vector<64x10000xi32>
    %slice3A_9 = vector.extract_strided_slice %dot_general3A_5 {offsets = [64, 0], sizes = [64, 10000], strides = [1, 1]} : vector<128x10000xf32> to vector<64x10000xf32>
    %convert_element_type3A_10 = arith.truncf %slice3A_9 : vector<64x10000xf32> to vector<64x10000xbf16>
    %bitcast_convert_type3A_11 = tpu.bitcast %convert_element_type3A_10 : vector<64x10000xbf16> -> vector<64x10000xi16>
    %convert_element_type3A_12 = arith.extui %bitcast_convert_type3A_11 : vector<64x10000xi16> to vector<64x10000xi32>
    %shift_left3A = arith.constant 16 : i32
    %shift_left3A_13 = vector.broadcast %shift_left3A : i32 to vector<64x10000xi32>
    %shift_left3A_14 = arith.shli %convert_element_type3A_8, %shift_left3A_13 : vector<64x10000xi32>
    %or3A = arith.ori %shift_left3A_14, %convert_element_type3A_12 : vector<64x10000xi32>
    %swap3A_15 = arith.constant 0 : index
    %swap3A_16 = arith.constant 0 : index
    %swap3A_17 = vector.load %arg3[%swap3A_15, %swap3A_16] : memref<64x10000xi32, #tpu.memory_space<vmem>>, vector<64x10000xi32>
    tpu.vector_store %arg3[%swap3A_15, %swap3A_16], %or3A {strides = array<i32>} : memref<64x10000xi32, #tpu.memory_space<vmem>>, vector<64x10000xi32>,
    return
  }
}

module attributes {stable_mosaic.version = 14 : i64} {
  func.func @body(%arg0: memref<128x10000xf32, #tpu.memory_space<vmem>>, %arg1: memref<64x10000xi32, #tpu.memory_space<vmem>>, %arg2: memref<128x128xf32, #tpu.memory_space<vmem>>, %arg3: memref<10000x128xf32, #tpu.memory_space<vmem>>) attributes {dimension_semantics = [], scalar_prefetch = 0 : i64, scratch_operands = 0 : i64, tpu.core_type = #tpu.core_type<tc>} {
    %get3A = arith.constant 0 : index
    %get3A_0 = arith.constant 0 : index
    %get3A_1 = vector.load %arg1[%get3A, %get3A_0] : memref<64x10000xi32, #tpu.memory_space<vmem>>, vector<64x10000xi32>
    %and3A = arith.constant -65536 : i32
    %and3A_2 = vector.broadcast %and3A : i32 to vector<64x10000xi32>
    %and3A_3 = arith.andi %get3A_1, %and3A_2 : vector<64x10000xi32>
    %bitcast_convert_type3A = tpu.bitcast %and3A_3 : vector<64x10000xi32> -> vector<64x10000xf32>
    %shift_left3A = arith.constant 16 : i32
    %shift_left3A_4 = vector.broadcast %shift_left3A : i32 to vector<64x10000xi32>
    %shift_left3A_5 = arith.shli %get3A_1, %shift_left3A_4 : vector<64x10000xi32>
    %bitcast_convert_type3A_6 = tpu.bitcast %shift_left3A_5 : vector<64x10000xi32> -> vector<64x10000xf32>
    %concatenate3A = tpu.concatenate %bitcast_convert_type3A, %bitcast_convert_type3A_6 in 0 : vector<64x10000xf32>, vector<64x10000xf32> -> vector<128x10000xf32>
    %eq3A = arith.constant 0x7F800000 : f32
    %eq3A_7 = vector.broadcast %eq3A : f32 to vector<128x10000xf32>
    %eq3A_8 = arith.cmpf oeq, %concatenate3A, %eq3A_7 : vector<128x10000xf32>
    %get3A_9 = arith.constant 0 : index
    %get3A_10 = arith.constant 0 : index
    %get3A_11 = vector.load %arg0[%get3A_9, %get3A_10] : memref<128x10000xf32, #tpu.memory_space<vmem>>, vector<128x10000xf32>
    %sub3A = arith.subf %get3A_11, %concatenate3A : vector<128x10000xf32>
    %jit3A = arith.constant 0.000000e+00 : f32
    %broadcast_in_dim3A = vector.broadcast %jit3A : f32 to vector<128x10000xf32>
    %select_n3A = arith.select %eq3A_8, %broadcast_in_dim3A, %sub3A : vector<128x10000xi1>, vector<128x10000xf32>
    %get3A_12 = arith.constant 0 : index
    %get3A_13 = arith.constant 0 : index
    %get3A_14 = vector.load %arg2[%get3A_12, %get3A_13] : memref<128x128xf32, #tpu.memory_space<vmem>>, vector<128x128xf32>
    %dot_general3A = arith.constant dense<0.000000e+00> : vector<10000x128xf32>
    %dot_general3A_15 = tpu.matmul %select_n3A, %get3A_14, %dot_general3A {dimension_numbers = #tpu.dot_dimension_numbers<[0], [1], [1], [0], [0, 1, 1, 0], [], []>, transpose_lhs_hint = false} : vector<128x10000xf32>, vector<128x128xf32>, vector<10000x128xf32> -> vector<10000x128xf32>
    %swap3A = arith.constant 0 : index
    %swap3A_16 = arith.constant 0 : index
    %swap3A_17 = vector.load %arg3[%swap3A, %swap3A_16] : memref<10000x128xf32, #tpu.memory_space<vmem>>, vector<10000x128xf32>
    tpu.vector_store %arg3[%swap3A, %swap3A_16], %dot_general3A_15 {strides = array<i32>} : memref<10000x128xf32, #tpu.memory_space<vmem>>, vector<10000x128xf32>,
    return
  }
}

</mosaic_0001>

<sc_bundles>
// kernel: kernel.5.cloned.1.call-start
scs
__scs_entry_jumppad:
0x0: {  	(pc) =	sbr.rel $0x88, $3  }
0x1: {  	(tag) =	ssettag $0x0;
	lr =	simm.s32 $0x1  }
0x2: {  	[smem:$0x3F9D] =	sst lr;
	_ =	strace $0xD0000000  }
0x3: {  	_ = 	snop  }
0x4: {  	_ = 	snop  }
0x5: {  	_ = 	snop  }
0x6: {  	_ = 	snop  }
0x7: {  	_ = 	snop  }
__scs_overlays_trampoline_lowered:
0x8: {  	[smem:$0x3FAC] =	sst s0  }
0x9: {  	[smem:$0x3FAD] =	sst s1  }
0xa: {  	[smem:$0x3FAE] =	sst s2  }
0xb: {  	[smem:$0x3FAF] =	sst s3  }
0xc: {  	[smem:$0x3FB0] =	sst s4  }
0xd: {  	[smem:$0x3FB1] =	sst s5  }
0xe: {  	[smem:$0x3FB2] =	sst s6  }
0xf: {  	[smem:$0x3FB3] =	sst s7  }
0x10: {  	[smem:$0x3FB4] =	sst s8  }
0x11: {  	[smem:$0x3FB5] =	sst s9;
	s0 =	simm.s32 @!p0 $0x0  }
0x12: {  	s1 =	sld [smem:$0x3F9B];
	s0 =	simm.s32 @p0 $0x1  }
0x13: {  	[smem:$0x3FB6] =	sst s0;
	s0 =	simm.s32 @!p1 $0x0  }
0x14: {  	s2 =	sld [smem:$0x3F9A];
	s0 =	simm.s32 @p1 $0x1  }
0x15: {  	[smem:$0x3FB7] =	sst s0;
	s0 =	simm.s32 @!p2 $0x0  }
0x16: {  	s3 =	sld [smem:$0x3FDB];
	s0 =	simm.s32 @p2 $0x1  }
0x17: {  	s4 =	simm.s32 $0x1BF5;
	[smem:$0x3FB9] =	sst s0  }
0x18: {  	s0 =	sld [smem:$0x3F9C];
	_ =	swait.ge [sflag:s4], $0x0  }
0x19: {  	s7 =	sld [smem:$0x3F9D]  }
0x1a: {  	s8 =	sadd.s32 $0xFFFFE003, lr  }
0x1b: {  	s9 =	sadd.s32 $0xFFFFFEF7, lr;
	s5 =	simm.s32 $0xFFFFFFFF;
	p2 =	slt.u32 s8, $0xFFFFF086  }
0x1c: {  	p1 =	slt.u32 s9, $0xF7A;
	s5 =	simm.s32 @!p2 $0x0  }
0x1d: {  	s5 =	simm.s32 @p1 $0x1;
	p0 =	seq.s32 s7, s2  }
0x1e: {  	s7 =	smul.u32 @!p0 $0xF7A, s2;
	p2 =	seq.s32 @!p0 s5, $0x0  }
0x1f: {  	s9 =	smul.u32 $0xF7A, s1;
	s8 =	simm.s32 @!p0 $0x1BF5;
	p2 =	por !p2, p0  }
0x20: {  	[sflag:s8] =	ssyncset.s32 @!p0 $0xFFFFF086;
	s6 =	sadd.s32 @!p0 s3, s7;
	s7 =	simm.s32 @!p0 $0x108  }
0x21: {  	s3 =	sadd.s32 s3, s9;
	s6 =	sadd.s32 @!p0 $0x88, s6;
	s7 =	simm.s32 @p2 $0x1082  }
0x22: {  	[simem:s7], [sflag:s8] =	dma.local @!p0 [hbm:s6], $0xF7A  }
0x23: {  	s9 =	sor.u32 $0xD0000000, s2;
	s6 =	simm.s32 $0x108;
	_ =	swait.ge @!p0 [sflag:s8], $0x0  }
0x24: {  	s3 =	sadd.s32 $0x88, s3;
	s6 =	simm.s32 @!p1 $0x1082;
	[sflag:s4] =	ssyncset.s32 $0xFFFFF086  }
0x25: {  	[simem:s6], [sflag:s4] =	dma.local [hbm:s3], $0xF7A  }
0x26: {  	[smem:$0x3F9D] =	sst s1;
	(tag) =	ssettag s2;
	_ =	strace s9  }
0x27: {  	s1 =	sld [smem:$0x3FAD]  }
0x28: {  	s2 =	sld [smem:$0x3FAE]  }
0x29: {  	s4 =	sld [smem:$0x3FB0]  }
0x2a: {  	p0 =	seq.s32 s5, $0x0;
	s5 =	sld [smem:$0x3FB1]  }
0x2b: {  	s6 =	sld [smem:$0x3FB2]  }
0x2c: {  	s7 =	sld [smem:$0x3FB3]  }
0x2d: {  	s3 =	simm.s32 $0x108;
	s8 =	sld [smem:$0x3FB4]  }
0x2e: {  	s3 =	simm.s32 @!p0 $0x1082;
	s9 =	sld [smem:$0x3FB5]  }
0x2f: {  	lr =	sadd.s32 s0, s3;
	s0 =	sld [smem:$0x3FAC]  }
0x30: {  	s3 =	sld [smem:$0x3FAF]  }
0x31: {  	[smem:$0x3FB8] =	sst s10  }
0x32: {  	s10 =	sld [smem:$0x3FB6];
	_ =	sdelay $0x3  }
0x33: {  	p0 =	seq.s32 s10, $0x1;
	s10 =	sld [smem:$0x3FB8];
	_ =	sdelay $0x3  }
0x34: {  	[smem:$0x3FB8] =	sst s10  }
0x35: {  	s10 =	sld [smem:$0x3FB7];
	_ =	sdelay $0x3  }
0x36: {  	p1 =	seq.s32 s10, $0x1;
	s10 =	sld [smem:$0x3FB8];
	_ =	sdelay $0x3  }
0x37: {  	[smem:$0x3FB8] =	sst s10  }
0x38: {  	s10 =	sld [smem:$0x3FB9]  }
0x39: {  	_ = 	snop;
	(pc) =	sbr.ind lr, $3  }
0x3a: {  	_ = 	snop  }
0x3b: {  	_ = 	snop  }
0x3c: {  	p2 =	seq.s32 s10, $0x1;
	s10 =	sld [smem:$0x3FB8]  }
0x3d: {  	_ =	shalt  }
0x3e: {  	_ =	shalt  }
0x3f: {  	_ =	shalt  }
0x40: {  	_ =	shalt  }
0x41: {  	_ =	shalt  }
0x42: {  	_ =	shalt  }
0x43: {  	_ =	shalt  }
0x44: {  	_ =	shalt  }
0x45: {  	_ =	shalt  }
0x46: {  	_ =	shalt  }
0x47: {  	_ =	shalt  }
0x48: {  	_ =	shalt  }
0x49: {  	_ =	shalt  }
0x4a: {  	_ =	shalt  }
0x4b: {  	_ =	shalt  }
0x4c: {  	_ =	shalt  }
0x4d: {  	_ =	shalt  }
0x4e: {  	_ =	shalt  }
0x4f: {  	_ =	shalt  }
0x50: {  	_ =	shalt  }
0x51: {  	_ =	shalt  }
0x52: {  	_ =	shalt  }
0x53: {  	_ =	shalt  }
0x54: {  	_ =	shalt  }
0x55: {  	_ =	shalt  }
0x56: {  	_ =	shalt  }
0x57: {  	_ =	shalt  }
0x58: {  	_ =	shalt  }
0x59: {  	_ =	shalt  }
0x5a: {  	_ =	shalt  }
0x5b: {  	_ =	shalt  }
0x5c: {  	_ =	shalt  }
0x5d: {  	_ =	shalt  }
0x5e: {  	_ =	shalt  }
0x5f: {  	_ =	shalt  }
0x60: {  	_ =	shalt  }
0x61: {  	_ =	shalt  }
0x62: {  	_ =	shalt  }
0x63: {  	_ =	shalt  }
0x64: {  	_ =	shalt  }
0x65: {  	_ =	shalt  }
0x66: {  	_ =	shalt  }
0x67: {  	_ =	shalt  }
0x68: {  	_ =	shalt  }
0x69: {  	_ =	shalt  }
0x6a: {  	_ =	shalt  }
0x6b: {  	_ =	shalt  }
0x6c: {  	_ =	shalt  }
0x6d: {  	_ =	shalt  }
0x6e: {  	_ =	shalt  }
0x6f: {  	_ =	shalt  }
0x70: {  	_ =	shalt  }
0x71: {  	_ =	shalt  }
0x72: {  	_ =	shalt  }
0x73: {  	_ =	shalt  }
0x74: {  	_ =	shalt  }
0x75: {  	_ =	shalt  }
0x76: {  	_ =	shalt  }
0x77: {  	_ =	shalt  }
0x78: {  	_ =	shalt  }
0x79: {  	_ =	shalt  }
0x7a: {  	_ =	shalt  }
0x7b: {  	_ =	shalt  }
0x7c: {  	_ =	shalt  }
0x7d: {  	_ =	shalt  }
0x7e: {  	_ =	shalt  }
0x7f: {  	_ =	shalt  }
0x80: {  	_ =	shalt  }
0x81: {  	_ =	shalt  }
0x82: {  	_ =	shalt  }
0x83: {  	_ =	shalt  }
0x84: {  	_ =	shalt  }
0x85: {  	_ =	shalt  }
0x86: {  	_ =	shalt  }
0x87: {  	_ =	shalt  }
.Lfunc_end0:
.L_simem_size_0:
called_computation_lowered:
.L_overlay_start_0:
0x88: {  	s2 =	sld [smem:$0x3FD9]  }
0x89: {  	s3 =	sld [smem:$0x3FFE];
	_ =	sdelay $0x1  }
0x8a: {  	s1 =	srdreg.scid  }
0x8b: {  	s0 =	sand.u32 $0x1, s1  }
0x8c: {  	s17 =	sshll.u32 s0, $0xA;
	s2 =	sadd.s32 s3, s2  }
0x8d: {  	s2 =	sadd.s32 s2, s17  }
0x8e: {  	[smem:$0x3FC4] =	sst s2  }
0x8f: {  	_ = 	snop  }
0x90: {  	s2 =	sld [smem:$0x3FD0];
	(tm) =	ssettm $0x1  }
0x91: {  	s18 =	sld [smem:$0x3FFB];
	_ =	sdelay $0x3  }
0x92: {  	_ =	strace s18  }
0x93: {  	s3 =	sld [smem:$0x3FFC];
	_ =	sdelay $0x3  }
0x94: {  	_ =	strace s3  }
0x95: {  	s3 =	sld [smem:$0x3FFD];
	_ =	sdelay $0x3  }
0x96: {  	_ =	strace s3  }
0x97: {  	_ =	strace $0x8FFFFFFF  }
0x98: {  	s19 =	sld [smem:$0x3FDB];
	_ =	sdelay $0x1  }
0x99: {  	s4 =	simm.s32 $_scs_section_size  }
0x9a: {  	s5 =	simm.s32 $_size__tile_overlayer_lowered;
	s6 =	simm.s32 $_tile_overlayer_lowered  }
0x9b: {  	s22 =	simm.s32 $0x1BFF;
	s21 =	sshll.u32 s6, $0x1;
	s3 =	sadd.s32 s4, s19  }
0x9c: {  	s7 =	simm.s32 $0x0;
	s20 =	sshll.u32 s5, $0x1;
	s5 =	sadd.s32 s21, s3  }
0x9d: {  	[timem:s7], [sflag:s22] =	dma.local [hbm:s5], s20  }
0x9e: {  	_ =	swait.ge [sflag:s22], s20  }
0x9f: {  	s4 =	ssub.s32 $0x0, s20;
	[sflag:s22] =	ssyncset.done $0x0  }
0xa0: {  	[sflag:s22] =	ssyncadd.s32 s4;
	_ =	sdelay $0x1  }
0xa1: {  	s23 =	simm.s32 $0x1B8B  }
0xa2: {  	_ =	swait.ge [sflag:s23], $0x1  }
0xa3: {  	[sflag:s23] =	ssyncset.done $0x0  }
0xa4: {  	s25 =	simm.s32 $0x1B8E;
	s24 =	sld [smem:$0x3FFE];
	[sflag:s23] =	ssyncadd.s32 $0xFFFFFFFF  }
0xa5: {  	s26 =	simm.s32 $execute0_lowered;
	[smem:$0x3FD2] =	sst s25  }
0xa6: {  	s5 =	sshll.u32 s26, $0x1;
	_ =	strace $0x80000046;
	[dreg:$0x1] =	wrdreg $0xFFFFFFFF  }
0xa7: {  	s28 =	simm.s32 $_size_execute0_lowered;
	s3 =	sadd.s32 s3, s5;
	[dreg:$0x0] =	wrdreg $0x0  }
0xa8: {  	s5 =	sshll.u32 s28, $0x1;
	[dreg:$0x2] =	wrdreg s3  }
0xa9: {  	[dreg:$0x3] =	wrdreg s5  }
0xaa: {  	[dreg:$0x4] =	wrdreg $0xC0  }
0xab: {  	_ =	task [dreg:s7], $0x5FFFF  }
0xac: {  	[dreg:$0x1] =	wrdreg $0xFFFFFFFF  }
0xad: {  	[dreg:$0x0] =	wrdreg $0x60  }
0xae: {  	[dreg:$0x2] =	wrdreg s2  }
0xaf: {  	[dreg:$0x3] =	wrdreg s24  }
0xb0: {  	[dreg:$0x4] =	wrdreg $0x9  }
0xb1: {  	_ =	task.clear_ibuf [dreg:s7], $0x5FFFF;
	_ =	strace $0x90000046  }
0xb2: {  	s29 =	simm.s32 $0x9;
	_ =	strace $0x80000048  }
0xb3: {  	_ =	swait.ge [sflag:s29], $0x1  }
0xb4: {  	[sflag:s29] =	ssyncadd.s32 $0xFFFFFFFF  }
0xb5: {  	_ =	strace $0x90000048  }
0xb6: {  	_ =	sfence  }
0xb7: {  	s30 =	sld [smem:$0x0];
	_ =	sdelay $0x2  }
0xb8: {  	s31 =	sshll.u32 s1, $0xD;
	s1 =	sshrl.u32 s1, $0x2  }
0xb9: {  	s3 =	sand.u32 $0x4000, s31;
	s1 =	sadd.s32 s1, s30  }
0xba: {  	s0 =	sor.u32 s3, s0;
	s1 =	sshll.u32 s1, $0x11  }
0xbb: {  	s0 =	sor.u32 s1, s0  }
0xbc: {  	s0 =	sadd.s32 $0x8F2B, s0  }
0xbd: {  	[sflag:s0] =	ssyncadd.remote.s32 $0x1  }
0xbe: {  	_ =	sfence.sel $0xFFFF  }
0xbf: {  	[dreg:$0x0] =	wrdreg $0xFFFFFFFF;
	(pc) =	sbr.abs _section_cstart, $3  }
0xc0: {  	[dreg:$0x1] =	wrdreg $0xFFFFFFFF  }
0xc1: {  	_ =	task.clear_ibuf [dreg:s7], $0x2FFFF;
	_ =	strace $0x9FFFFFFF  }
0xc2: {  	(tm) =	ssettm $0x7FFFFFFF  }
0xc3: {  	_ =	shalt  }
tec
execute0_lowered:
.L_overlay_start_1:
0x0: {  	(tag) =	ssettag $0x1  }
0x1: {  	s5 =	rddreg [dreg:$0x0];
	s1 =	srdreg.scid  }
0x2: {  	s0 =	stileid.u32;
	s6 =	rddreg [dreg:$0x1]  }
0x3: {  	s2 =	simm.s32 $0x0;
	s11 =	simm.s32 $0x10580;
	s12 =	simm.s32 $0x1  }
0x4: {  	s13 =	simm.s32 $0x2;
	s14 =	simm.s32 $0x11E80;
	s15 =	simm.s32 $0x13780  }
0x5: {  	s16 =	simm.s32 $0x4E80;
	s17 =	simm.s32 $0x7600;
	s18 =	simm.s32 $0x9D80  }
0x6: {  	s19 =	simm.s32 $0xC500;
	s3 =	sand.u32 $0x1, s1;
	s4 =	sshll.u32 s0, $0x1  }
0x7: {  	s20 =	simm.s32 $0x3;
	s21 =	simm.s32 $0x4;
	s4 =	sor.u32 s3, s4  }
0x8: {  	s22 =	simm.s32 $0x0;
	[smem:$0x7FF] =	sst s2;
	s4 =	smul.u32 $0x4E20, s4  }
0x9: {  	s1 =	rddreg [dreg:$0x2];
	_ =	strace $0x80000047;
	s7 =	ssub.s32 $0x2, s3  }
0xa: {  	s3 =	sadd.s32 $0xA200, s6;
	s9 =	sshrl.u32 s7, $0x1;
	s8 =	sshrl.u32 s4, $0x3  }
0xb: {  	s9 =	ssub.s32 s7, s9;
	s4 =	sadd.s32 $0x400, s6;
	s10 =	sadd.s32 s8, s6  }
0xc: {  	s5 =	sadd.s32 s5, s8;
	s8 =	smax.u32 s9, $0x1;
	s9 =	simm.s32 $0x5  }
0xd: {  	v0 =	vimm.s32 $0x7F807F80;
	v1 =	vimm.f32 $0.0e+00;
	v2 =	vimm.f32 $1.000000000e+00;
	s6 =	sadd.s32 $0x14000, s10;
	s7 =	sadd.s32 $0x144E2, s10;
	s10 =	simm.s32 $0xEC80  }
.LBB2_1:
0xe: {  	[tilespmem:s2], [sflag:$0x5] =	stream.linear.gather [hbm4b:s5+s2], $0x4E20, $0x38;
	[tilespmem:$0x15080] =	vst v63  }
0xf: {  	_ =	swait.ge [sflag:s9], $0x4E20  }
0x10: {  	[sflag:s9] =	ssyncset.done $0x0  }
0x11: {  	s24 =	simm.s32 $0x40;
	s23 =	simm.s32 $0x0;
	[sflag:s9] =	ssyncadd.s32 $0xFFFFB1E0  }
.LBB2_2:
0x12: {  	p0 =	sne.s32 s24, $0x9C00;
	[tilespmem:s23+$0xC500] =	vst v0;
	s25 =	smov.u32 s24;
	s24 =	sadd.s32 $0x40, s24  }
.Ltmp0:
0x13: {  	[tilespmem:s23+$0x9D80] =	vst v0;
	(pc) =	sbr.rel @p0 .LBB2_2-.Ltmp0, $3  }
0x14: {  	[tilespmem:s23+$0x4E80] =	vst v0  }
0x15: {  	[tilespmem:s23+$0x7600] =	vst v0;
	_ =	sdelay $0x1  }
0x16: {  	s23 =	sshra.s32 s25, $0x2  }
0x17: {  	[tilespmem:s23+$0xC500] =	vst v0  }
0x18: {  	[tilespmem:s23+$0x9D80] =	vst v0  }
.Ltmp1:
0x19: {  	[tilespmem:s23+$0x4E80] =	vst v0;
	(pc) =	sbr.rel .LBB2_4-.Ltmp1, $4  }
0x1a: {  	[tilespmem:s23+$0x7600] =	vst v0;
	s23 =	simm.s32 $0x0  }
0x1b: {  	[tilespmem:s10], [sflag:$0x1] =	stream.linear.gather [hbm4b:s3+s23], $0x1900, $0x38;
	[tilespmem:$0x15080] =	vst v63  }
0x1c: {  	s24 =	simm.s32 $0x0  }
0x1d: {  	[tilespmem:s11], [sflag:$0x2] =	stream.linear.gather [hbm4b:s4+s23], $0x1900, $0x38;
	[tilespmem:$0x15080] =	vst v63  }
.LBB2_58:
0x1e: {  	s24 =	sadd.s32 $0x1, s24  }
0x1f: {  	p0 =	sne.s32 s24, $0x19  }
.Ltmp2:
0x20: {  	_ = 	snop;
	(pc) =	sbr.rel @!p0 .LBB2_59-.Ltmp2, $1  }
0x21: {  	_ =	sdelay $0x3  }
.LBB2_4:
0x22: {  	_ =	swait.ge [sflag:s12], $0x1900  }
0x23: {  	s25 =	smul.u32 $0x3200, s24;
	[sflag:s12] =	ssyncset.done $0x0  }
0x24: {  	[sflag:s12] =	ssyncadd.s32 $0xFFFFE700  }
0x25: {  	s25 =	sshrl.u32 s25, $0x3;
	_ =	swait.ge [sflag:s13], $0x1900  }
0x26: {  	s25 =	sadd.s32 $0x320, s25;
	[sflag:s13] =	ssyncset.done $0x0  }
.Ltmp3:
0x27: {  	s26 =	sadd.s32 s3, s25;
	[sflag:s13] =	ssyncadd.s32 $0xFFFFE700;
	(pc) =	sbr.rel .LBB2_5-.Ltmp3, $4  }
0x28: {  	[tilespmem:s14], [sflag:$0x3] =	stream.linear.gather [hbm4b:s26+s23], $0x1900, $0x38;
	[tilespmem:$0x15080] =	vst v63  }
0x29: {  	s25 =	sadd.s32 s4, s25  }
0x2a: {  	[tilespmem:s15], [sflag:$0x4] =	stream.linear.gather [hbm4b:s25+s23], $0x1900, $0x38;
	[tilespmem:$0x15080] =	vst v63  }
0x2b: {  	s25 =	simm.s32 $0x0  }
.LBB2_30:
0x2c: {  	s25 =	sadd.s32 $0x1, s25  }
0x2d: {  	p0 =	sne.s32 s25, $0x32  }
.Ltmp4:
0x2e: {  	_ = 	snop;
	(pc) =	sbr.rel @!p0 .LBB2_31-.Ltmp4, $1  }
0x2f: {  	_ =	sdelay $0x3  }
.LBB2_5:
0x30: {  	s26 =	sshll.u32 s25, $0x7  }
0x31: {  	v3 =	vld [tilespmem:s26+$0x10580];
	_ =	sdelay $0x2  }
0x32: {  	v4 =	vld [tilespmem:s26+$0x10590];
	_ =	sdelay $0x1  }
0x33: {  	v29 =	vld [tilespmem:s26+$0xEC80];
	v5 =	vadd.s32 $0x2710, v3  }
0x34: {  	v6 =	vld [tilespmem:s26+$0x105A0]  }
0x35: {  	v25 =	vld [tilespmem:s26+$0xEC90]  }
0x36: {  	v30 =	vld.idx.msk [tilespmem:v3+s2+$0x0], $0xffff;
	v3 =	vadd.s32 $0x2710, v4  }
0x37: {  	v21 =	vld [tilespmem:s26+$0xECA0]  }
0x38: {  	v31 =	vld.idx.msk [tilespmem:v5+s2+$0x0], $0xffff  }
0x39: {  	v5 =	vld [tilespmem:s26+$0x105B0]  }
0x3a: {  	v26 =	vld.idx.msk [tilespmem:v4+s2+$0x0], $0xffff;
	v4 =	vadd.s32 $0x2710, v6  }
0x3b: {  	v27 =	vld.idx.msk [tilespmem:v3+s2+$0x0], $0xffff  }
0x3c: {  	v3 =	vld [tilespmem:s26+$0x105C0]  }
0x3d: {  	v17 =	vld [tilespmem:s26+$0xECB0];
	(xrf1) =	vunique.msk.u32 $0xffff, v29  }
0x3e: {  	v22 =	vld.idx.msk [tilespmem:v6+s2+$0x0], $0xffff  }
0x3f: {  	v23 =	vld.idx.msk [tilespmem:v4+s2+$0x0], $0xffff  }
0x40: {  	v4 =	vld [tilespmem:s26+$0x105D0]  }
0x41: {  	v6 =	vadd.s32 $0x2710, v5;
	v18 =	vld.idx.msk [tilespmem:v5+s2+$0x0], $0xffff;
	v5 =	vadd.s32 $0x2710, v3  }
0x42: {  	v13 =	vld [tilespmem:s26+$0xECC0]  }
0x43: {  	v7 =	vld [tilespmem:s26+$0x105E0]  }
0x44: {  	v9 =	vld [tilespmem:s26+$0xECD0]  }
0x45: {  	(xrf1) =	vunique.msk.u32 $0xffff, v25;
	v14 =	vld.idx.msk [tilespmem:v3+s2+$0x0], $0xffff;
	v3 =	vadd.s32 $0x2710, v4  }
0x46: {  	v15 =	vld.idx.msk [tilespmem:v5+s2+$0x0], $0xffff  }
0x47: {  	v5 =	vld [tilespmem:s26+$0x105F0]  }
0x48: {  	v16 =	vld.idx.msk [tilespmem:v29+s16+$0x0], $0xffff  }
0x49: {  	v20 =	vld.idx.msk [tilespmem:v29+s17+$0x0], $0xffff  }
0x4a: {  	v11 =	vld.idx.msk [tilespmem:v3+s2+$0x0], $0xffff;
	v3 =	vadd.s32 $0x2710, v7  }
0x4b: {  	_, v34, _ =	vpop (xrf1);
	v19 =	vld.idx.msk [tilespmem:v6+s2+$0x0], $0xffff  }
0x4c: {  	v6 =	vld [tilespmem:s26+$0xECE0];
	vm7 =	veq.s32 v34, $0x1;
	v12 =	vadd.s32 $0x2710, v5  }
0x4d: {  	(xrf1) =	vunique.msk.u32 $0xffff, v21;
	v10 =	vld.idx.msk [tilespmem:v4+s2+$0x0], $0xffff  }
0x4e: {  	v7 =	vld.idx.msk [tilespmem:v7+s2+$0x0], $0xffff  }
0x4f: {  	v8 =	vld.idx.msk [tilespmem:v3+s2+$0x0], $0xffff  }
0x50: {  	v4 =	vld.idx.msk [tilespmem:v5+s2+$0x0], $0xffff  }
0x51: {  	v5 =	vld.idx.msk [tilespmem:v12+s2+$0x0], $0xffff;
	v12 =	vmin.bf16 v16, v30  }
0x52: {  	v3 =	vld [tilespmem:s26+$0xECF0];
	[tilespmem:v29+s16+$0x0] =	vst.idx.msk vm7, v12;
	v12 =	vmin.bf16 v20, v31  }
0x53: {  	_, v33, _ =	vpop (xrf1);
	[tilespmem:v29+s17+$0x0] =	vst.idx.msk vm7, v12  }
0x54: {  	vm6 =	veq.s32 v33, $0x1;
	v12 =	vld.idx.msk [tilespmem:v25+s18+$0x0], $0xffff  }
0x55: {  	(xrf1) =	vunique.msk.u32 $0xffff, v17;
	v16 =	vld.idx.msk [tilespmem:v25+s19+$0x0], $0xffff;
	_ =	sdelay $0x3  }
0x56: {  	v12 =	vmin.bf16 v12, v26  }
0x57: {  	[tilespmem:v25+s18+$0x0] =	vst.idx.msk vm6, v12;
	v12 =	vmin.bf16 v16, v27  }
0x58: {  	_, v32, _ =	vpop (xrf1);
	[tilespmem:v25+s19+$0x0] =	vst.idx.msk vm6, v12  }
0x59: {  	vm5 =	veq.s32 v32, $0x1;
	v12 =	vld.idx.msk [tilespmem:v21+s16+$0x0], $0xffff  }
0x5a: {  	(xrf1) =	vunique.msk.u32 $0xffff, v13;
	v16 =	vld.idx.msk [tilespmem:v21+s17+$0x0], $0xffff  }
0x5b: {  	(xrf1) =	vunique.msk.u32 $0xffff, v9  }
0x5c: {  	(xrf1) =	vunique.msk.u32 $0xffff, v6  }
0x5d: {  	(xrf1) =	vunique.msk.u32 $0xffff, v3  }
0x5e: {  	v12 =	vmin.bf16 v12, v22  }
0x5f: {  	[tilespmem:v21+s16+$0x0] =	vst.idx.msk vm5, v12;
	v12 =	vmin.bf16 v16, v23  }
0x60: {  	_, v28, _ =	vpop (xrf1);
	[tilespmem:v21+s17+$0x0] =	vst.idx.msk vm5, v12  }
0x61: {  	vm4 =	veq.s32 v28, $0x1;
	v12 =	vld.idx.msk [tilespmem:v17+s18+$0x0], $0xffff  }
0x62: {  	v16 =	vld.idx.msk [tilespmem:v17+s19+$0x0], $0xffff;
	_ =	sdelay $0x3  }
0x63: {  	v12 =	vmin.bf16 v12, v18  }
0x64: {  	vm0 =	vmand vm7, vm6;
	[tilespmem:v17+s18+$0x0] =	vst.idx.msk vm4, v12;
	v12 =	vmin.bf16 v16, v19  }
0x65: {  	vm0 =	vmand vm0, vm5;
	_, v24, _ =	vpop (xrf1)  }
0x66: {  	_, v20, _ =	vpop (xrf1);
	vm3 =	veq.s32 v24, $0x1;
	vm0 =	vmand vm0, vm4  }
0x67: {  	vm2 =	veq.s32 v20, $0x1;
	vm0 =	vmand vm0, vm3;
	_, v16, _ =	vpop (xrf1)  }
0x68: {  	vm8 =	vmand vm0, vm2;
	[tilespmem:v17+s19+$0x0] =	vst.idx.msk vm4, v12;
	vm1 =	veq.s32 v16, $0x1;
	_, v12, _ =	vpop (xrf1)  }
0x69: {  	v35 =	vld.idx.msk [tilespmem:v13+s16+$0x0], $0xffff;
	vm8 =	vmand vm8, vm1;
	vm0 =	veq.s32 v12, $0x1  }
0x6a: {  	v36 =	vld.idx.msk [tilespmem:v13+s17+$0x0], $0xffff;
	vm8 =	vmand vm8, vm0  }
0x6b: {  	v37 =	vsel vm8, $0x3F800000, v1  }
0x6c: {  	(xrf0) =	vmin.scan.msk.f32 $0xffff, v37;
	_ =	sdelay $0x1  }
0x6d: {  	v35 =	vmin.bf16 v35, v14  }
0x6e: {  	v57 =	vmin.bf16 v36, v15;
	[tilespmem:v13+s16+$0x0] =	vst.idx.msk vm3, v35  }
0x6f: {  	[tilespmem:v13+s17+$0x0] =	vst.idx.msk vm3, v57  }
0x70: {  	v35 =	vld.idx.msk [tilespmem:v9+s18+$0x0], $0xffff  }
0x71: {  	v58 =	vld.idx.msk [tilespmem:v9+s19+$0x0], $0xffff;
	v37, _, _ =	vpop (xrf0)  }
0x72: {  	(v2sf) =	vpush v37, $0xF;
	_ =	sdelay $0x2  }
0x73: {  	v35 =	vmin.bf16 v35, v10  }
0x74: {  	v59 =	vmin.bf16 v58, v11;
	[tilespmem:v9+s18+$0x0] =	vst.idx.msk vm2, v35  }
0x75: {  	[tilespmem:v9+s19+$0x0] =	vst.idx.msk vm2, v59  }
0x76: {  	v35 =	vld.idx.msk [tilespmem:v6+s16+$0x0], $0xffff  }
0x77: {  	v60 =	vld.idx.msk [tilespmem:v6+s17+$0x0], $0xffff;
	_ =	sdelay $0x3  }
0x78: {  	v35 =	vmin.bf16 v35, v7  }
0x79: {  	v61 =	vmin.bf16 v60, v8;
	[tilespmem:v6+s16+$0x0] =	vst.idx.msk vm1, v35  }
0x7a: {  	[tilespmem:v6+s17+$0x0] =	vst.idx.msk vm1, v61  }
0x7b: {  	v35 =	vld.idx.msk [tilespmem:v3+s18+$0x0], $0xffff  }
0x7c: {  	v62 =	vld.idx.msk [tilespmem:v3+s19+$0x0], $0xffff;
	s31 =	spop (v2sf)  }
0x7d: {  	p0 =	sgt.f32 s31, $0.0e+00  }
.Ltmp5:
0x7e: {  	_ = 	snop;
	(pc) =	sbr.rel @p0 .LBB2_30-.Ltmp5, $4  }
0x7f: {  	_ = 	snop  }
0x80: {  	v35 =	vmin.bf16 v35, v4  }
0x81: {  	v63 =	vmin.bf16 v62, v5;
	[tilespmem:v3+s18+$0x0] =	vst.idx.msk vm0, v35  }
0x82: {  	[tilespmem:v3+s19+$0x0] =	vst.idx.msk vm0, v63  }
0x83: {  	v35 =	vsel vm7, $0x0, v2  }
0x84: {  	(xrf0) =	vmax.scan.msk.f32 $0xffff, v35;
	_ =	sdelay $0x5  }
0x85: {  	v35, _, _ =	vpop (xrf0)  }
0x86: {  	(v2sf) =	vpush v35, $0xF;
	_ =	sdelay $0xe  }
0x87: {  	s26 =	spop (v2sf)  }
0x88: {  	p0 =	sgt.f32 s26, $0.0e+00  }
.Ltmp6:
0x89: {  	_ = 	snop;
	(pc) =	sbr.rel @!p0 .LBB2_9-.Ltmp6, $1  }
0x8a: {  	_ =	sdelay $0x3  }
0x8b: {  	vm7 =	vne.s32 v34, $0x1  }
.LBB2_8:
0x8c: {  	(xrf1) =	vunique.msk.u32 vm7, v29;
	_ =	sdelay $0xd  }
0x8d: {  	_, v34, _ =	vpop (xrf1)  }
0x8e: {  	vm8 =	veq.s32 v34, $0x1  }
0x8f: {  	vm8 =	vmand vm7, vm8  }
0x90: {  	vm7 =	vmxor vm7, vm8  }
0x91: {  	v62 =	vsel vm7, $0x3F800000, v1  }
0x92: {  	(xrf0) =	vmax.scan.msk.f32 $0xffff, v62;
	_ =	sdelay $0x5  }
0x93: {  	v34, _, _ =	vpop (xrf0)  }
0x94: {  	(v2sf) =	vpush v34, $0xF;
	_ =	sdelay $0x7  }
0x95: {  	v63 =	vld.idx.msk [tilespmem:v29+s16+$0x0], vm8;
	_ =	sdelay $0x4  }
0x96: {  	v34 =	vmin.bf16 v63, v30  }
0x97: {  	[tilespmem:v29+s16+$0x0] =	vst.idx.msk vm8, v34  }
0x98: {  	v34 =	vld.idx.msk [tilespmem:v29+s17+$0x0], vm8;
	s26 =	spop (v2sf)  }
0x99: {  	p0 =	sgt.f32 s26, $0.0e+00  }
.Ltmp7:
0x9a: {  	_ = 	snop;
	(pc) =	sbr.rel @p0 .LBB2_8-.Ltmp7, $3  }
0x9b: {  	_ =	sdelay $0x1  }
0x9c: {  	v34 =	vmin.bf16 v34, v31  }
0x9d: {  	[tilespmem:v29+s17+$0x0] =	vst.idx.msk vm8, v34  }
.LBB2_9:
0x9e: {  	v29 =	vsel vm6, $0x0, v2  }
0x9f: {  	(xrf0) =	vmax.scan.msk.f32 $0xffff, v29;
	_ =	sdelay $0x5  }
0xa0: {  	v29, _, _ =	vpop (xrf0)  }
0xa1: {  	(v2sf) =	vpush v29, $0xF;
	_ =	sdelay $0xe  }
0xa2: {  	s26 =	spop (v2sf)  }
0xa3: {  	p0 =	sgt.f32 s26, $0.0e+00  }
.Ltmp8:
0xa4: {  	_ = 	snop;
	(pc) =	sbr.rel @!p0 .LBB2_12-.Ltmp8, $1  }
0xa5: {  	_ =	sdelay $0x3  }
0xa6: {  	vm6 =	vne.s32 v33, $0x1  }
.LBB2_11:
0xa7: {  	(xrf1) =	vunique.msk.u32 vm6, v25;
	_ =	sdelay $0xd  }
0xa8: {  	_, v29, _ =	vpop (xrf1)  }
0xa9: {  	vm7 =	veq.s32 v29, $0x1  }
0xaa: {  	vm7 =	vmand vm6, vm7  }
0xab: {  	vm6 =	vmxor vm6, vm7  }
0xac: {  	v29 =	vsel vm6, $0x3F800000, v1  }
0xad: {  	(xrf0) =	vmax.scan.msk.f32 $0xffff, v29;
	_ =	sdelay $0x5  }
0xae: {  	v29, _, _ =	vpop (xrf0)  }
0xaf: {  	(v2sf) =	vpush v29, $0xF;
	_ =	sdelay $0x7  }
0xb0: {  	v29 =	vld.idx.msk [tilespmem:v25+s18+$0x0], vm7;
	_ =	sdelay $0x4  }
0xb1: {  	v29 =	vmin.bf16 v29, v26  }
0xb2: {  	[tilespmem:v25+s18+$0x0] =	vst.idx.msk vm7, v29  }
0xb3: {  	v29 =	vld.idx.msk [tilespmem:v25+s19+$0x0], vm7;
	s26 =	spop (v2sf)  }
0xb4: {  	p0 =	sgt.f32 s26, $0.0e+00  }
.Ltmp9:
0xb5: {  	_ = 	snop;
	(pc) =	sbr.rel @p0 .LBB2_11-.Ltmp9, $3  }
0xb6: {  	_ =	sdelay $0x1  }
0xb7: {  	v29 =	vmin.bf16 v29, v27  }
0xb8: {  	[tilespmem:v25+s19+$0x0] =	vst.idx.msk vm7, v29  }
.LBB2_12:
0xb9: {  	v25 =	vsel vm5, $0x0, v2  }
0xba: {  	(xrf0) =	vmax.scan.msk.f32 $0xffff, v25;
	_ =	sdelay $0x5  }
0xbb: {  	v25, _, _ =	vpop (xrf0)  }
0xbc: {  	(v2sf) =	vpush v25, $0xF;
	_ =	sdelay $0xe  }
0xbd: {  	s26 =	spop (v2sf)  }
0xbe: {  	p0 =	sgt.f32 s26, $0.0e+00  }
.Ltmp10:
0xbf: {  	_ = 	snop;
	(pc) =	sbr.rel @!p0 .LBB2_15-.Ltmp10, $1  }
0xc0: {  	_ =	sdelay $0x3  }
0xc1: {  	vm5 =	vne.s32 v32, $0x1  }
.LBB2_14:
0xc2: {  	(xrf1) =	vunique.msk.u32 vm5, v21;
	_ =	sdelay $0xd  }
0xc3: {  	_, v25, _ =	vpop (xrf1)  }
0xc4: {  	vm6 =	veq.s32 v25, $0x1  }
0xc5: {  	vm6 =	vmand vm5, vm6  }
0xc6: {  	vm5 =	vmxor vm5, vm6  }
0xc7: {  	v25 =	vsel vm5, $0x3F800000, v1  }
0xc8: {  	(xrf0) =	vmax.scan.msk.f32 $0xffff, v25;
	_ =	sdelay $0x5  }
0xc9: {  	v25, _, _ =	vpop (xrf0)  }
0xca: {  	(v2sf) =	vpush v25, $0xF;
	_ =	sdelay $0x7  }
0xcb: {  	v25 =	vld.idx.msk [tilespmem:v21+s16+$0x0], vm6;
	_ =	sdelay $0x4  }
0xcc: {  	v25 =	vmin.bf16 v25, v22  }
0xcd: {  	[tilespmem:v21+s16+$0x0] =	vst.idx.msk vm6, v25  }
0xce: {  	v25 =	vld.idx.msk [tilespmem:v21+s17+$0x0], vm6;
	s26 =	spop (v2sf)  }
0xcf: {  	p0 =	sgt.f32 s26, $0.0e+00  }
.Ltmp11:
0xd0: {  	_ = 	snop;
	(pc) =	sbr.rel @p0 .LBB2_14-.Ltmp11, $3  }
0xd1: {  	_ =	sdelay $0x1  }
0xd2: {  	v25 =	vmin.bf16 v25, v23  }
0xd3: {  	[tilespmem:v21+s17+$0x0] =	vst.idx.msk vm6, v25  }
.LBB2_15:
0xd4: {  	v21 =	vsel vm4, $0x0, v2  }
0xd5: {  	(xrf0) =	vmax.scan.msk.f32 $0xffff, v21;
	_ =	sdelay $0x5  }
0xd6: {  	v21, _, _ =	vpop (xrf0)  }
0xd7: {  	(v2sf) =	vpush v21, $0xF;
	_ =	sdelay $0xe  }
0xd8: {  	s26 =	spop (v2sf)  }
0xd9: {  	p0 =	sgt.f32 s26, $0.0e+00  }
.Ltmp12:
0xda: {  	_ = 	snop;
	(pc) =	sbr.rel @!p0 .LBB2_18-.Ltmp12, $1  }
0xdb: {  	_ =	sdelay $0x3  }
0xdc: {  	vm4 =	vne.s32 v28, $0x1  }
.LBB2_17:
0xdd: {  	(xrf1) =	vunique.msk.u32 vm4, v17;
	_ =	sdelay $0xd  }
0xde: {  	_, v21, _ =	vpop (xrf1)  }
0xdf: {  	vm5 =	veq.s32 v21, $0x1  }
0xe0: {  	vm5 =	vmand vm4, vm5  }
0xe1: {  	vm4 =	vmxor vm4, vm5  }
0xe2: {  	v21 =	vsel vm4, $0x3F800000, v1  }
0xe3: {  	(xrf0) =	vmax.scan.msk.f32 $0xffff, v21;
	_ =	sdelay $0x5  }
0xe4: {  	v21, _, _ =	vpop (xrf0)  }
0xe5: {  	(v2sf) =	vpush v21, $0xF;
	_ =	sdelay $0x7  }
0xe6: {  	v21 =	vld.idx.msk [tilespmem:v17+s18+$0x0], vm5;
	_ =	sdelay $0x4  }
0xe7: {  	v21 =	vmin.bf16 v21, v18  }
0xe8: {  	[tilespmem:v17+s18+$0x0] =	vst.idx.msk vm5, v21  }
0xe9: {  	v21 =	vld.idx.msk [tilespmem:v17+s19+$0x0], vm5;
	s26 =	spop (v2sf)  }
0xea: {  	p0 =	sgt.f32 s26, $0.0e+00  }
.Ltmp13:
0xeb: {  	_ = 	snop;
	(pc) =	sbr.rel @p0 .LBB2_17-.Ltmp13, $3  }
0xec: {  	_ =	sdelay $0x1  }
0xed: {  	v21 =	vmin.bf16 v21, v19  }
0xee: {  	[tilespmem:v17+s19+$0x0] =	vst.idx.msk vm5, v21  }
.LBB2_18:
0xef: {  	v17 =	vsel vm3, $0x0, v2  }
0xf0: {  	(xrf0) =	vmax.scan.msk.f32 $0xffff, v17;
	_ =	sdelay $0x5  }
0xf1: {  	v17, _, _ =	vpop (xrf0)  }
0xf2: {  	(v2sf) =	vpush v17, $0xF;
	_ =	sdelay $0xe  }
0xf3: {  	s26 =	spop (v2sf)  }
0xf4: {  	p0 =	sgt.f32 s26, $0.0e+00  }
.Ltmp14:
0xf5: {  	_ = 	snop;
	(pc) =	sbr.rel @!p0 .LBB2_21-.Ltmp14, $1  }
0xf6: {  	_ =	sdelay $0x3  }
0xf7: {  	vm3 =	vne.s32 v24, $0x1  }
.LBB2_20:
0xf8: {  	(xrf1) =	vunique.msk.u32 vm3, v13;
	_ =	sdelay $0xd  }
0xf9: {  	_, v17, _ =	vpop (xrf1)  }
0xfa: {  	vm4 =	veq.s32 v17, $0x1  }
0xfb: {  	vm4 =	vmand vm3, vm4  }
0xfc: {  	vm3 =	vmxor vm3, vm4  }
0xfd: {  	v17 =	vsel vm3, $0x3F800000, v1  }
0xfe: {  	(xrf0) =	vmax.scan.msk.f32 $0xffff, v17;
	_ =	sdelay $0x5  }
0xff: {  	v17, _, _ =	vpop (xrf0)  }
0x100: {  	(v2sf) =	vpush v17, $0xF;
	_ =	sdelay $0x7  }
0x101: {  	v17 =	vld.idx.msk [tilespmem:v13+s16+$0x0], vm4;
	_ =	sdelay $0x4  }
0x102: {  	v17 =	vmin.bf16 v17, v14  }
0x103: {  	[tilespmem:v13+s16+$0x0] =	vst.idx.msk vm4, v17  }
0x104: {  	v17 =	vld.idx.msk [tilespmem:v13+s17+$0x0], vm4;
	s26 =	spop (v2sf)  }
0x105: {  	p0 =	sgt.f32 s26, $0.0e+00  }
.Ltmp15:
0x106: {  	_ = 	snop;
	(pc) =	sbr.rel @p0 .LBB2_20-.Ltmp15, $3  }
0x107: {  	_ =	sdelay $0x1  }
0x108: {  	v17 =	vmin.bf16 v17, v15  }
0x109: {  	[tilespmem:v13+s17+$0x0] =	vst.idx.msk vm4, v17  }
.LBB2_21:
0x10a: {  	v13 =	vsel vm2, $0x0, v2  }
0x10b: {  	(xrf0) =	vmax.scan.msk.f32 $0xffff, v13;
	_ =	sdelay $0x5  }
0x10c: {  	v13, _, _ =	vpop (xrf0)  }
0x10d: {  	(v2sf) =	vpush v13, $0xF;
	_ =	sdelay $0xe  }
0x10e: {  	s26 =	spop (v2sf)  }
0x10f: {  	p0 =	sgt.f32 s26, $0.0e+00  }
.Ltmp16:
0x110: {  	_ = 	snop;
	(pc) =	sbr.rel @!p0 .LBB2_24-.Ltmp16, $1  }
0x111: {  	_ =	sdelay $0x3  }
0x112: {  	vm2 =	vne.s32 v20, $0x1  }
.LBB2_23:
0x113: {  	(xrf1) =	vunique.msk.u32 vm2, v9;
	_ =	sdelay $0xd  }
0x114: {  	_, v13, _ =	vpop (xrf1)  }
0x115: {  	vm3 =	veq.s32 v13, $0x1  }
0x116: {  	vm3 =	vmand vm2, vm3  }
0x117: {  	vm2 =	vmxor vm2, vm3  }
0x118: {  	v13 =	vsel vm2, $0x3F800000, v1  }
0x119: {  	(xrf0) =	vmax.scan.msk.f32 $0xffff, v13;
	_ =	sdelay $0x5  }
0x11a: {  	v13, _, _ =	vpop (xrf0)  }
0x11b: {  	(v2sf) =	vpush v13, $0xF;
	_ =	sdelay $0x7  }
0x11c: {  	v13 =	vld.idx.msk [tilespmem:v9+s18+$0x0], vm3;
	_ =	sdelay $0x4  }
0x11d: {  	v13 =	vmin.bf16 v13, v10  }
0x11e: {  	[tilespmem:v9+s18+$0x0] =	vst.idx.msk vm3, v13  }
0x11f: {  	v13 =	vld.idx.msk [tilespmem:v9+s19+$0x0], vm3;
	s26 =	spop (v2sf)  }
0x120: {  	p0 =	sgt.f32 s26, $0.0e+00  }
.Ltmp17:
0x121: {  	_ = 	snop;
	(pc) =	sbr.rel @p0 .LBB2_23-.Ltmp17, $3  }
0x122: {  	_ =	sdelay $0x1  }
0x123: {  	v13 =	vmin.bf16 v13, v11  }
0x124: {  	[tilespmem:v9+s19+$0x0] =	vst.idx.msk vm3, v13  }
.LBB2_24:
0x125: {  	v9 =	vsel vm1, $0x0, v2  }
0x126: {  	(xrf0) =	vmax.scan.msk.f32 $0xffff, v9;
	_ =	sdelay $0x5  }
0x127: {  	v9, _, _ =	vpop (xrf0)  }
0x128: {  	(v2sf) =	vpush v9, $0xF;
	_ =	sdelay $0xe  }
0x129: {  	s26 =	spop (v2sf)  }
0x12a: {  	p0 =	sgt.f32 s26, $0.0e+00  }
.Ltmp18:
0x12b: {  	_ = 	snop;
	(pc) =	sbr.rel @!p0 .LBB2_27-.Ltmp18, $1  }
0x12c: {  	_ =	sdelay $0x3  }
0x12d: {  	vm1 =	vne.s32 v16, $0x1  }
.LBB2_26:
0x12e: {  	(xrf1) =	vunique.msk.u32 vm1, v6;
	_ =	sdelay $0xd  }
0x12f: {  	_, v9, _ =	vpop (xrf1)  }
0x130: {  	vm2 =	veq.s32 v9, $0x1  }
0x131: {  	vm2 =	vmand vm1, vm2  }
0x132: {  	vm1 =	vmxor vm1, vm2  }
0x133: {  	v9 =	vsel vm1, $0x3F800000, v1  }
0x134: {  	(xrf0) =	vmax.scan.msk.f32 $0xffff, v9;
	_ =	sdelay $0x5  }
0x135: {  	v9, _, _ =	vpop (xrf0)  }
0x136: {  	(v2sf) =	vpush v9, $0xF;
	_ =	sdelay $0x7  }
0x137: {  	v9 =	vld.idx.msk [tilespmem:v6+s16+$0x0], vm2;
	_ =	sdelay $0x4  }
0x138: {  	v9 =	vmin.bf16 v9, v7  }
0x139: {  	[tilespmem:v6+s16+$0x0] =	vst.idx.msk vm2, v9  }
0x13a: {  	v9 =	vld.idx.msk [tilespmem:v6+s17+$0x0], vm2;
	s26 =	spop (v2sf)  }
0x13b: {  	p0 =	sgt.f32 s26, $0.0e+00  }
.Ltmp19:
0x13c: {  	_ = 	snop;
	(pc) =	sbr.rel @p0 .LBB2_26-.Ltmp19, $3  }
0x13d: {  	_ =	sdelay $0x1  }
0x13e: {  	v9 =	vmin.bf16 v9, v8  }
0x13f: {  	[tilespmem:v6+s17+$0x0] =	vst.idx.msk vm2, v9  }
.LBB2_27:
0x140: {  	v6 =	vsel vm0, $0x0, v2  }
0x141: {  	(xrf0) =	vmax.scan.msk.f32 $0xffff, v6;
	_ =	sdelay $0x5  }
0x142: {  	v6, _, _ =	vpop (xrf0)  }
0x143: {  	(v2sf) =	vpush v6, $0xF;
	_ =	sdelay $0xe  }
0x144: {  	s26 =	spop (v2sf)  }
0x145: {  	p0 =	sgt.f32 s26, $0.0e+00  }
.Ltmp20:
0x146: {  	_ = 	snop;
	(pc) =	sbr.rel @!p0 .LBB2_30-.Ltmp20, $1  }
0x147: {  	_ =	sdelay $0x3  }
0x148: {  	vm0 =	vne.s32 v12, $0x1  }
.LBB2_29:
0x149: {  	(xrf1) =	vunique.msk.u32 vm0, v3;
	_ =	sdelay $0xd  }
0x14a: {  	_, v6, _ =	vpop (xrf1)  }
0x14b: {  	vm1 =	veq.s32 v6, $0x1  }
0x14c: {  	vm1 =	vmand vm0, vm1  }
0x14d: {  	vm0 =	vmxor vm0, vm1  }
0x14e: {  	v6 =	vsel vm0, $0x3F800000, v1  }
0x14f: {  	(xrf0) =	vmax.scan.msk.f32 $0xffff, v6;
	_ =	sdelay $0x5  }
0x150: {  	v6, _, _ =	vpop (xrf0)  }
0x151: {  	(v2sf) =	vpush v6, $0xF;
	_ =	sdelay $0x7  }
0x152: {  	v6 =	vld.idx.msk [tilespmem:v3+s18+$0x0], vm1;
	_ =	sdelay $0x4  }
0x153: {  	v6 =	vmin.bf16 v6, v4  }
0x154: {  	[tilespmem:v3+s18+$0x0] =	vst.idx.msk vm1, v6  }
0x155: {  	v6 =	vld.idx.msk [tilespmem:v3+s19+$0x0], vm1;
	s26 =	spop (v2sf)  }
0x156: {  	p0 =	sgt.f32 s26, $0.0e+00  }
.Ltmp21:
0x157: {  	_ = 	snop;
	(pc) =	sbr.rel @p0 .LBB2_29-.Ltmp21, $3  }
0x158: {  	_ =	sdelay $0x1  }
0x159: {  	v6 =	vmin.bf16 v6, v5  }
0x15a: {  	[tilespmem:v3+s19+$0x0] =	vst.idx.msk vm1, v6  }
.Ltmp22:
0x15b: {  	_ = 	snop;
	(pc) =	sbr.rel .LBB2_30-.Ltmp22, $1  }
0x15c: {  	_ =	sdelay $0x3  }
.LBB2_31:
0x15d: {  	s25 =	sshll.u32 s24, $0x1;
	_ =	swait.ge [sflag:s20], $0x1900  }
0x15e: {  	[sflag:s20] =	ssyncset.done $0x0;
	s25 =	sadd.s32 $0x2, s25  }
0x15f: {  	[sflag:s20] =	ssyncadd.s32 $0xFFFFE700;
	s26 =	smul.u32 $0x320, s25  }
0x160: {  	p0 =	seq.s32 s25, $0x32;
	_ =	swait.ge [sflag:s21], $0x1900  }
.Ltmp23:
0x161: {  	[sflag:s21] =	ssyncset.done $0x0;
	s26 =	simm.s32 @p0 $0x0;
	(pc) =	sbr.rel .LBB2_32-.Ltmp23, $4  }
0x162: {  	s25 =	simm.s32 $0x0;
	[sflag:s21] =	ssyncadd.s32 $0xFFFFE700;
	s28 =	sadd.s32 s3, s26  }
0x163: {  	[tilespmem:s10], [sflag:$0x1] =	stream.linear.gather [hbm4b:s28+s25], $0x1900, $0x38;
	[tilespmem:$0x15080] =	vst v63  }
0x164: {  	s26 =	sadd.s32 s4, s26  }
0x165: {  	[tilespmem:s11], [sflag:$0x2] =	stream.linear.gather [hbm4b:s26+s25], $0x1900, $0x38;
	[tilespmem:$0x15080] =	vst v63  }
.LBB2_57:
0x166: {  	s25 =	sadd.s32 $0x1, s25  }
0x167: {  	p0 =	sne.s32 s25, $0x32  }
.Ltmp24:
0x168: {  	_ = 	snop;
	(pc) =	sbr.rel @!p0 .LBB2_58-.Ltmp24, $1  }
0x169: {  	_ =	sdelay $0x3  }
.LBB2_32:
0x16a: {  	s26 =	sshll.u32 s25, $0x7  }
0x16b: {  	v3 =	vld [tilespmem:s26+$0x13780];
	_ =	sdelay $0x2  }
0x16c: {  	v4 =	vld [tilespmem:s26+$0x13790];
	_ =	sdelay $0x1  }
0x16d: {  	v29 =	vld [tilespmem:s26+$0x11E80];
	v5 =	vadd.s32 $0x2710, v3  }
0x16e: {  	v6 =	vld [tilespmem:s26+$0x137A0]  }
0x16f: {  	v25 =	vld [tilespmem:s26+$0x11E90]  }
0x170: {  	v30 =	vld.idx.msk [tilespmem:v3+s2+$0x0], $0xffff;
	v3 =	vadd.s32 $0x2710, v4  }
0x171: {  	v21 =	vld [tilespmem:s26+$0x11EA0]  }
0x172: {  	v31 =	vld.idx.msk [tilespmem:v5+s2+$0x0], $0xffff  }
0x173: {  	v5 =	vld [tilespmem:s26+$0x137B0]  }
0x174: {  	v26 =	vld.idx.msk [tilespmem:v4+s2+$0x0], $0xffff;
	v4 =	vadd.s32 $0x2710, v6  }
0x175: {  	v27 =	vld.idx.msk [tilespmem:v3+s2+$0x0], $0xffff  }
0x176: {  	v3 =	vld [tilespmem:s26+$0x137C0]  }
0x177: {  	v17 =	vld [tilespmem:s26+$0x11EB0];
	(xrf1) =	vunique.msk.u32 $0xffff, v29  }
0x178: {  	v22 =	vld.idx.msk [tilespmem:v6+s2+$0x0], $0xffff  }
0x179: {  	v23 =	vld.idx.msk [tilespmem:v4+s2+$0x0], $0xffff  }
0x17a: {  	v4 =	vld [tilespmem:s26+$0x137D0]  }
0x17b: {  	v6 =	vadd.s32 $0x2710, v5;
	v18 =	vld.idx.msk [tilespmem:v5+s2+$0x0], $0xffff;
	v5 =	vadd.s32 $0x2710, v3  }
0x17c: {  	v13 =	vld [tilespmem:s26+$0x11EC0]  }
0x17d: {  	v7 =	vld [tilespmem:s26+$0x137E0]  }
0x17e: {  	v9 =	vld [tilespmem:s26+$0x11ED0]  }
0x17f: {  	(xrf1) =	vunique.msk.u32 $0xffff, v25;
	v14 =	vld.idx.msk [tilespmem:v3+s2+$0x0], $0xffff;
	v3 =	vadd.s32 $0x2710, v4  }
0x180: {  	v15 =	vld.idx.msk [tilespmem:v5+s2+$0x0], $0xffff  }
0x181: {  	v5 =	vld [tilespmem:s26+$0x137F0]  }
0x182: {  	v16 =	vld.idx.msk [tilespmem:v29+s16+$0x0], $0xffff  }
0x183: {  	v20 =	vld.idx.msk [tilespmem:v29+s17+$0x0], $0xffff  }
0x184: {  	v11 =	vld.idx.msk [tilespmem:v3+s2+$0x0], $0xffff;
	v3 =	vadd.s32 $0x2710, v7  }
0x185: {  	_, v34, _ =	vpop (xrf1);
	v19 =	vld.idx.msk [tilespmem:v6+s2+$0x0], $0xffff  }
0x186: {  	v6 =	vld [tilespmem:s26+$0x11EE0];
	vm7 =	veq.s32 v34, $0x1;
	v12 =	vadd.s32 $0x2710, v5  }
0x187: {  	(xrf1) =	vunique.msk.u32 $0xffff, v21;
	v10 =	vld.idx.msk [tilespmem:v4+s2+$0x0], $0xffff  }
0x188: {  	v7 =	vld.idx.msk [tilespmem:v7+s2+$0x0], $0xffff  }
0x189: {  	v8 =	vld.idx.msk [tilespmem:v3+s2+$0x0], $0xffff  }
0x18a: {  	v4 =	vld.idx.msk [tilespmem:v5+s2+$0x0], $0xffff  }
0x18b: {  	v5 =	vld.idx.msk [tilespmem:v12+s2+$0x0], $0xffff;
	v12 =	vmin.bf16 v16, v30  }
0x18c: {  	v3 =	vld [tilespmem:s26+$0x11EF0];
	[tilespmem:v29+s16+$0x0] =	vst.idx.msk vm7, v12;
	v12 =	vmin.bf16 v20, v31  }
0x18d: {  	_, v33, _ =	vpop (xrf1);
	[tilespmem:v29+s17+$0x0] =	vst.idx.msk vm7, v12  }
0x18e: {  	vm6 =	veq.s32 v33, $0x1;
	v12 =	vld.idx.msk [tilespmem:v25+s18+$0x0], $0xffff  }
0x18f: {  	(xrf1) =	vunique.msk.u32 $0xffff, v17;
	v16 =	vld.idx.msk [tilespmem:v25+s19+$0x0], $0xffff;
	_ =	sdelay $0x3  }
0x190: {  	v12 =	vmin.bf16 v12, v26  }
0x191: {  	[tilespmem:v25+s18+$0x0] =	vst.idx.msk vm6, v12;
	v12 =	vmin.bf16 v16, v27  }
0x192: {  	_, v32, _ =	vpop (xrf1);
	[tilespmem:v25+s19+$0x0] =	vst.idx.msk vm6, v12  }
0x193: {  	vm5 =	veq.s32 v32, $0x1;
	v12 =	vld.idx.msk [tilespmem:v21+s16+$0x0], $0xffff  }
0x194: {  	(xrf1) =	vunique.msk.u32 $0xffff, v13;
	v16 =	vld.idx.msk [tilespmem:v21+s17+$0x0], $0xffff  }
0x195: {  	(xrf1) =	vunique.msk.u32 $0xffff, v9  }
0x196: {  	(xrf1) =	vunique.msk.u32 $0xffff, v6  }
0x197: {  	(xrf1) =	vunique.msk.u32 $0xffff, v3  }
0x198: {  	v12 =	vmin.bf16 v12, v22  }
0x199: {  	[tilespmem:v21+s16+$0x0] =	vst.idx.msk vm5, v12;
	v12 =	vmin.bf16 v16, v23  }
0x19a: {  	_, v28, _ =	vpop (xrf1);
	[tilespmem:v21+s17+$0x0] =	vst.idx.msk vm5, v12  }
0x19b: {  	vm4 =	veq.s32 v28, $0x1;
	v12 =	vld.idx.msk [tilespmem:v17+s18+$0x0], $0xffff  }
0x19c: {  	v16 =	vld.idx.msk [tilespmem:v17+s19+$0x0], $0xffff;
	_ =	sdelay $0x3  }
0x19d: {  	v12 =	vmin.bf16 v12, v18  }
0x19e: {  	vm0 =	vmand vm7, vm6;
	[tilespmem:v17+s18+$0x0] =	vst.idx.msk vm4, v12;
	v12 =	vmin.bf16 v16, v19  }
0x19f: {  	vm0 =	vmand vm0, vm5;
	_, v24, _ =	vpop (xrf1)  }
0x1a0: {  	_, v20, _ =	vpop (xrf1);
	vm3 =	veq.s32 v24, $0x1;
	vm0 =	vmand vm0, vm4  }
0x1a1: {  	vm2 =	veq.s32 v20, $0x1;
	vm0 =	vmand vm0, vm3;
	_, v16, _ =	vpop (xrf1)  }
0x1a2: {  	vm8 =	vmand vm0, vm2;
	[tilespmem:v17+s19+$0x0] =	vst.idx.msk vm4, v12;
	vm1 =	veq.s32 v16, $0x1;
	_, v12, _ =	vpop (xrf1)  }
0x1a3: {  	v35 =	vld.idx.msk [tilespmem:v13+s16+$0x0], $0xffff;
	vm8 =	vmand vm8, vm1;
	vm0 =	veq.s32 v12, $0x1  }
0x1a4: {  	v36 =	vld.idx.msk [tilespmem:v13+s17+$0x0], $0xffff;
	vm8 =	vmand vm8, vm0  }
0x1a5: {  	v37 =	vsel vm8, $0x3F800000, v1  }
0x1a6: {  	(xrf0) =	vmin.scan.msk.f32 $0xffff, v37;
	_ =	sdelay $0x1  }
0x1a7: {  	v35 =	vmin.bf16 v35, v14  }
0x1a8: {  	v57 =	vmin.bf16 v36, v15;
	[tilespmem:v13+s16+$0x0] =	vst.idx.msk vm3, v35  }
0x1a9: {  	[tilespmem:v13+s17+$0x0] =	vst.idx.msk vm3, v57  }
0x1aa: {  	v35 =	vld.idx.msk [tilespmem:v9+s18+$0x0], $0xffff  }
0x1ab: {  	v58 =	vld.idx.msk [tilespmem:v9+s19+$0x0], $0xffff;
	v37, _, _ =	vpop (xrf0)  }
0x1ac: {  	(v2sf) =	vpush v37, $0xF;
	_ =	sdelay $0x2  }
0x1ad: {  	v35 =	vmin.bf16 v35, v10  }
0x1ae: {  	v59 =	vmin.bf16 v58, v11;
	[tilespmem:v9+s18+$0x0] =	vst.idx.msk vm2, v35  }
0x1af: {  	[tilespmem:v9+s19+$0x0] =	vst.idx.msk vm2, v59  }
0x1b0: {  	v35 =	vld.idx.msk [tilespmem:v6+s16+$0x0], $0xffff  }
0x1b1: {  	v60 =	vld.idx.msk [tilespmem:v6+s17+$0x0], $0xffff;
	_ =	sdelay $0x3  }
0x1b2: {  	v35 =	vmin.bf16 v35, v7  }
0x1b3: {  	v61 =	vmin.bf16 v60, v8;
	[tilespmem:v6+s16+$0x0] =	vst.idx.msk vm1, v35  }
0x1b4: {  	[tilespmem:v6+s17+$0x0] =	vst.idx.msk vm1, v61  }
0x1b5: {  	v35 =	vld.idx.msk [tilespmem:v3+s18+$0x0], $0xffff  }
0x1b6: {  	v62 =	vld.idx.msk [tilespmem:v3+s19+$0x0], $0xffff;
	s31 =	spop (v2sf)  }
0x1b7: {  	p0 =	sgt.f32 s31, $0.0e+00  }
.Ltmp25:
0x1b8: {  	_ = 	snop;
	(pc) =	sbr.rel @p0 .LBB2_57-.Ltmp25, $4  }
0x1b9: {  	_ = 	snop  }
0x1ba: {  	v35 =	vmin.bf16 v35, v4  }
0x1bb: {  	v63 =	vmin.bf16 v62, v5;
	[tilespmem:v3+s18+$0x0] =	vst.idx.msk vm0, v35  }
0x1bc: {  	[tilespmem:v3+s19+$0x0] =	vst.idx.msk vm0, v63  }
0x1bd: {  	v35 =	vsel vm7, $0x0, v2  }
0x1be: {  	(xrf0) =	vmax.scan.msk.f32 $0xffff, v35;
	_ =	sdelay $0x5  }
0x1bf: {  	v35, _, _ =	vpop (xrf0)  }
0x1c0: {  	(v2sf) =	vpush v35, $0xF;
	_ =	sdelay $0xe  }
0x1c1: {  	s26 =	spop (v2sf)  }
0x1c2: {  	p0 =	sgt.f32 s26, $0.0e+00  }
.Ltmp26:
0x1c3: {  	_ = 	snop;
	(pc) =	sbr.rel @!p0 .LBB2_36-.Ltmp26, $1  }
0x1c4: {  	_ =	sdelay $0x3  }
0x1c5: {  	vm7 =	vne.s32 v34, $0x1  }
.LBB2_35:
0x1c6: {  	(xrf1) =	vunique.msk.u32 vm7, v29;
	_ =	sdelay $0xd  }
0x1c7: {  	_, v34, _ =	vpop (xrf1)  }
0x1c8: {  	vm8 =	veq.s32 v34, $0x1  }
0x1c9: {  	vm8 =	vmand vm7, vm8  }
0x1ca: {  	vm7 =	vmxor vm7, vm8  }
0x1cb: {  	v62 =	vsel vm7, $0x3F800000, v1  }
0x1cc: {  	(xrf0) =	vmax.scan.msk.f32 $0xffff, v62;
	_ =	sdelay $0x5  }
0x1cd: {  	v34, _, _ =	vpop (xrf0)  }
0x1ce: {  	(v2sf) =	vpush v34, $0xF;
	_ =	sdelay $0x7  }
0x1cf: {  	v63 =	vld.idx.msk [tilespmem:v29+s16+$0x0], vm8;
	_ =	sdelay $0x4  }
0x1d0: {  	v34 =	vmin.bf16 v63, v30  }
0x1d1: {  	[tilespmem:v29+s16+$0x0] =	vst.idx.msk vm8, v34  }
0x1d2: {  	v34 =	vld.idx.msk [tilespmem:v29+s17+$0x0], vm8;
	s26 =	spop (v2sf)  }
0x1d3: {  	p0 =	sgt.f32 s26, $0.0e+00  }
.Ltmp27:
0x1d4: {  	_ = 	snop;
	(pc) =	sbr.rel @p0 .LBB2_35-.Ltmp27, $3  }
0x1d5: {  	_ =	sdelay $0x1  }
0x1d6: {  	v34 =	vmin.bf16 v34, v31  }
0x1d7: {  	[tilespmem:v29+s17+$0x0] =	vst.idx.msk vm8, v34  }
.LBB2_36:
0x1d8: {  	v29 =	vsel vm6, $0x0, v2  }
0x1d9: {  	(xrf0) =	vmax.scan.msk.f32 $0xffff, v29;
	_ =	sdelay $0x5  }
0x1da: {  	v29, _, _ =	vpop (xrf0)  }
0x1db: {  	(v2sf) =	vpush v29, $0xF;
	_ =	sdelay $0xe  }
0x1dc: {  	s26 =	spop (v2sf)  }
0x1dd: {  	p0 =	sgt.f32 s26, $0.0e+00  }
.Ltmp28:
0x1de: {  	_ = 	snop;
	(pc) =	sbr.rel @!p0 .LBB2_39-.Ltmp28, $1  }
0x1df: {  	_ =	sdelay $0x3  }
0x1e0: {  	vm6 =	vne.s32 v33, $0x1  }
.LBB2_38:
0x1e1: {  	(xrf1) =	vunique.msk.u32 vm6, v25;
	_ =	sdelay $0xd  }
0x1e2: {  	_, v29, _ =	vpop (xrf1)  }
0x1e3: {  	vm7 =	veq.s32 v29, $0x1  }
0x1e4: {  	vm7 =	vmand vm6, vm7  }
0x1e5: {  	vm6 =	vmxor vm6, vm7  }
0x1e6: {  	v29 =	vsel vm6, $0x3F800000, v1  }
0x1e7: {  	(xrf0) =	vmax.scan.msk.f32 $0xffff, v29;
	_ =	sdelay $0x5  }
0x1e8: {  	v29, _, _ =	vpop (xrf0)  }
0x1e9: {  	(v2sf) =	vpush v29, $0xF;
	_ =	sdelay $0x7  }
0x1ea: {  	v29 =	vld.idx.msk [tilespmem:v25+s18+$0x0], vm7;
	_ =	sdelay $0x4  }
0x1eb: {  	v29 =	vmin.bf16 v29, v26  }
0x1ec: {  	[tilespmem:v25+s18+$0x0] =	vst.idx.msk vm7, v29  }
0x1ed: {  	v29 =	vld.idx.msk [tilespmem:v25+s19+$0x0], vm7;
	s26 =	spop (v2sf)  }
0x1ee: {  	p0 =	sgt.f32 s26, $0.0e+00  }
.Ltmp29:
0x1ef: {  	_ = 	snop;
	(pc) =	sbr.rel @p0 .LBB2_38-.Ltmp29, $3  }
0x1f0: {  	_ =	sdelay $0x1  }
0x1f1: {  	v29 =	vmin.bf16 v29, v27  }
0x1f2: {  	[tilespmem:v25+s19+$0x0] =	vst.idx.msk vm7, v29  }
.LBB2_39:
0x1f3: {  	v25 =	vsel vm5, $0x0, v2  }
0x1f4: {  	(xrf0) =	vmax.scan.msk.f32 $0xffff, v25;
	_ =	sdelay $0x5  }
0x1f5: {  	v25, _, _ =	vpop (xrf0)  }
0x1f6: {  	(v2sf) =	vpush v25, $0xF;
	_ =	sdelay $0xe  }
0x1f7: {  	s26 =	spop (v2sf)  }
0x1f8: {  	p0 =	sgt.f32 s26, $0.0e+00  }
.Ltmp30:
0x1f9: {  	_ = 	snop;
	(pc) =	sbr.rel @!p0 .LBB2_42-.Ltmp30, $1  }
0x1fa: {  	_ =	sdelay $0x3  }
0x1fb: {  	vm5 =	vne.s32 v32, $0x1  }
.LBB2_41:
0x1fc: {  	(xrf1) =	vunique.msk.u32 vm5, v21;
	_ =	sdelay $0xd  }
0x1fd: {  	_, v25, _ =	vpop (xrf1)  }
0x1fe: {  	vm6 =	veq.s32 v25, $0x1  }
0x1ff: {  	vm6 =	vmand vm5, vm6  }
0x200: {  	vm5 =	vmxor vm5, vm6  }
0x201: {  	v25 =	vsel vm5, $0x3F800000, v1  }
0x202: {  	(xrf0) =	vmax.scan.msk.f32 $0xffff, v25;
	_ =	sdelay $0x5  }
0x203: {  	v25, _, _ =	vpop (xrf0)  }
0x204: {  	(v2sf) =	vpush v25, $0xF;
	_ =	sdelay $0x7  }
0x205: {  	v25 =	vld.idx.msk [tilespmem:v21+s16+$0x0], vm6;
	_ =	sdelay $0x4  }
0x206: {  	v25 =	vmin.bf16 v25, v22  }
0x207: {  	[tilespmem:v21+s16+$0x0] =	vst.idx.msk vm6, v25  }
0x208: {  	v25 =	vld.idx.msk [tilespmem:v21+s17+$0x0], vm6;
	s26 =	spop (v2sf)  }
0x209: {  	p0 =	sgt.f32 s26, $0.0e+00  }
.Ltmp31:
0x20a: {  	_ = 	snop;
	(pc) =	sbr.rel @p0 .LBB2_41-.Ltmp31, $3  }
0x20b: {  	_ =	sdelay $0x1  }
0x20c: {  	v25 =	vmin.bf16 v25, v23  }
0x20d: {  	[tilespmem:v21+s17+$0x0] =	vst.idx.msk vm6, v25  }
.LBB2_42:
0x20e: {  	v21 =	vsel vm4, $0x0, v2  }
0x20f: {  	(xrf0) =	vmax.scan.msk.f32 $0xffff, v21;
	_ =	sdelay $0x5  }
0x210: {  	v21, _, _ =	vpop (xrf0)  }
0x211: {  	(v2sf) =	vpush v21, $0xF;
	_ =	sdelay $0xe  }
0x212: {  	s26 =	spop (v2sf)  }
0x213: {  	p0 =	sgt.f32 s26, $0.0e+00  }
.Ltmp32:
0x214: {  	_ = 	snop;
	(pc) =	sbr.rel @!p0 .LBB2_45-.Ltmp32, $1  }
0x215: {  	_ =	sdelay $0x3  }
0x216: {  	vm4 =	vne.s32 v28, $0x1  }
.LBB2_44:
0x217: {  	(xrf1) =	vunique.msk.u32 vm4, v17;
	_ =	sdelay $0xd  }
0x218: {  	_, v21, _ =	vpop (xrf1)  }
0x219: {  	vm5 =	veq.s32 v21, $0x1  }
0x21a: {  	vm5 =	vmand vm4, vm5  }
0x21b: {  	vm4 =	vmxor vm4, vm5  }
0x21c: {  	v21 =	vsel vm4, $0x3F800000, v1  }
0x21d: {  	(xrf0) =	vmax.scan.msk.f32 $0xffff, v21;
	_ =	sdelay $0x5  }
0x21e: {  	v21, _, _ =	vpop (xrf0)  }
0x21f: {  	(v2sf) =	vpush v21, $0xF;
	_ =	sdelay $0x7  }
0x220: {  	v21 =	vld.idx.msk [tilespmem:v17+s18+$0x0], vm5;
	_ =	sdelay $0x4  }
0x221: {  	v21 =	vmin.bf16 v21, v18  }
0x222: {  	[tilespmem:v17+s18+$0x0] =	vst.idx.msk vm5, v21  }
0x223: {  	v21 =	vld.idx.msk [tilespmem:v17+s19+$0x0], vm5;
	s26 =	spop (v2sf)  }
0x224: {  	p0 =	sgt.f32 s26, $0.0e+00  }
.Ltmp33:
0x225: {  	_ = 	snop;
	(pc) =	sbr.rel @p0 .LBB2_44-.Ltmp33, $3  }
0x226: {  	_ =	sdelay $0x1  }
0x227: {  	v21 =	vmin.bf16 v21, v19  }
0x228: {  	[tilespmem:v17+s19+$0x0] =	vst.idx.msk vm5, v21  }
.LBB2_45:
0x229: {  	v17 =	vsel vm3, $0x0, v2  }
0x22a: {  	(xrf0) =	vmax.scan.msk.f32 $0xffff, v17;
	_ =	sdelay $0x5  }
0x22b: {  	v17, _, _ =	vpop (xrf0)  }
0x22c: {  	(v2sf) =	vpush v17, $0xF;
	_ =	sdelay $0xe  }
0x22d: {  	s26 =	spop (v2sf)  }
0x22e: {  	p0 =	sgt.f32 s26, $0.0e+00  }
.Ltmp34:
0x22f: {  	_ = 	snop;
	(pc) =	sbr.rel @!p0 .LBB2_48-.Ltmp34, $1  }
0x230: {  	_ =	sdelay $0x3  }
0x231: {  	vm3 =	vne.s32 v24, $0x1  }
.LBB2_47:
0x232: {  	(xrf1) =	vunique.msk.u32 vm3, v13;
	_ =	sdelay $0xd  }
0x233: {  	_, v17, _ =	vpop (xrf1)  }
0x234: {  	vm4 =	veq.s32 v17, $0x1  }
0x235: {  	vm4 =	vmand vm3, vm4  }
0x236: {  	vm3 =	vmxor vm3, vm4  }
0x237: {  	v17 =	vsel vm3, $0x3F800000, v1  }
0x238: {  	(xrf0) =	vmax.scan.msk.f32 $0xffff, v17;
	_ =	sdelay $0x5  }
0x239: {  	v17, _, _ =	vpop (xrf0)  }
0x23a: {  	(v2sf) =	vpush v17, $0xF;
	_ =	sdelay $0x7  }
0x23b: {  	v17 =	vld.idx.msk [tilespmem:v13+s16+$0x0], vm4;
	_ =	sdelay $0x4  }
0x23c: {  	v17 =	vmin.bf16 v17, v14  }
0x23d: {  	[tilespmem:v13+s16+$0x0] =	vst.idx.msk vm4, v17  }
0x23e: {  	v17 =	vld.idx.msk [tilespmem:v13+s17+$0x0], vm4;
	s26 =	spop (v2sf)  }
0x23f: {  	p0 =	sgt.f32 s26, $0.0e+00  }
.Ltmp35:
0x240: {  	_ = 	snop;
	(pc) =	sbr.rel @p0 .LBB2_47-.Ltmp35, $3  }
0x241: {  	_ =	sdelay $0x1  }
0x242: {  	v17 =	vmin.bf16 v17, v15  }
0x243: {  	[tilespmem:v13+s17+$0x0] =	vst.idx.msk vm4, v17  }
.LBB2_48:
0x244: {  	v13 =	vsel vm2, $0x0, v2  }
0x245: {  	(xrf0) =	vmax.scan.msk.f32 $0xffff, v13;
	_ =	sdelay $0x5  }
0x246: {  	v13, _, _ =	vpop (xrf0)  }
0x247: {  	(v2sf) =	vpush v13, $0xF;
	_ =	sdelay $0xe  }
0x248: {  	s26 =	spop (v2sf)  }
0x249: {  	p0 =	sgt.f32 s26, $0.0e+00  }
.Ltmp36:
0x24a: {  	_ = 	snop;
	(pc) =	sbr.rel @!p0 .LBB2_51-.Ltmp36, $1  }
0x24b: {  	_ =	sdelay $0x3  }
0x24c: {  	vm2 =	vne.s32 v20, $0x1  }
.LBB2_50:
0x24d: {  	(xrf1) =	vunique.msk.u32 vm2, v9;
	_ =	sdelay $0xd  }
0x24e: {  	_, v13, _ =	vpop (xrf1)  }
0x24f: {  	vm3 =	veq.s32 v13, $0x1  }
0x250: {  	vm3 =	vmand vm2, vm3  }
0x251: {  	vm2 =	vmxor vm2, vm3  }
0x252: {  	v13 =	vsel vm2, $0x3F800000, v1  }
0x253: {  	(xrf0) =	vmax.scan.msk.f32 $0xffff, v13;
	_ =	sdelay $0x5  }
0x254: {  	v13, _, _ =	vpop (xrf0)  }
0x255: {  	(v2sf) =	vpush v13, $0xF;
	_ =	sdelay $0x7  }
0x256: {  	v13 =	vld.idx.msk [tilespmem:v9+s18+$0x0], vm3;
	_ =	sdelay $0x4  }
0x257: {  	v13 =	vmin.bf16 v13, v10  }
0x258: {  	[tilespmem:v9+s18+$0x0] =	vst.idx.msk vm3, v13  }
0x259: {  	v13 =	vld.idx.msk [tilespmem:v9+s19+$0x0], vm3;
	s26 =	spop (v2sf)  }
0x25a: {  	p0 =	sgt.f32 s26, $0.0e+00  }
.Ltmp37:
0x25b: {  	_ = 	snop;
	(pc) =	sbr.rel @p0 .LBB2_50-.Ltmp37, $3  }
0x25c: {  	_ =	sdelay $0x1  }
0x25d: {  	v13 =	vmin.bf16 v13, v11  }
0x25e: {  	[tilespmem:v9+s19+$0x0] =	vst.idx.msk vm3, v13  }
.LBB2_51:
0x25f: {  	v9 =	vsel vm1, $0x0, v2  }
0x260: {  	(xrf0) =	vmax.scan.msk.f32 $0xffff, v9;
	_ =	sdelay $0x5  }
0x261: {  	v9, _, _ =	vpop (xrf0)  }
0x262: {  	(v2sf) =	vpush v9, $0xF;
	_ =	sdelay $0xe  }
0x263: {  	s26 =	spop (v2sf)  }
0x264: {  	p0 =	sgt.f32 s26, $0.0e+00  }
.Ltmp38:
0x265: {  	_ = 	snop;
	(pc) =	sbr.rel @!p0 .LBB2_54-.Ltmp38, $1  }
0x266: {  	_ =	sdelay $0x3  }
0x267: {  	vm1 =	vne.s32 v16, $0x1  }
.LBB2_53:
0x268: {  	(xrf1) =	vunique.msk.u32 vm1, v6;
	_ =	sdelay $0xd  }
0x269: {  	_, v9, _ =	vpop (xrf1)  }
0x26a: {  	vm2 =	veq.s32 v9, $0x1  }
0x26b: {  	vm2 =	vmand vm1, vm2  }
0x26c: {  	vm1 =	vmxor vm1, vm2  }
0x26d: {  	v9 =	vsel vm1, $0x3F800000, v1  }
0x26e: {  	(xrf0) =	vmax.scan.msk.f32 $0xffff, v9;
	_ =	sdelay $0x5  }
0x26f: {  	v9, _, _ =	vpop (xrf0)  }
0x270: {  	(v2sf) =	vpush v9, $0xF;
	_ =	sdelay $0x7  }
0x271: {  	v9 =	vld.idx.msk [tilespmem:v6+s16+$0x0], vm2;
	_ =	sdelay $0x4  }
0x272: {  	v9 =	vmin.bf16 v9, v7  }
0x273: {  	[tilespmem:v6+s16+$0x0] =	vst.idx.msk vm2, v9  }
0x274: {  	v9 =	vld.idx.msk [tilespmem:v6+s17+$0x0], vm2;
	s26 =	spop (v2sf)  }
0x275: {  	p0 =	sgt.f32 s26, $0.0e+00  }
.Ltmp39:
0x276: {  	_ = 	snop;
	(pc) =	sbr.rel @p0 .LBB2_53-.Ltmp39, $3  }
0x277: {  	_ =	sdelay $0x1  }
0x278: {  	v9 =	vmin.bf16 v9, v8  }
0x279: {  	[tilespmem:v6+s17+$0x0] =	vst.idx.msk vm2, v9  }
.LBB2_54:
0x27a: {  	v6 =	vsel vm0, $0x0, v2  }
0x27b: {  	(xrf0) =	vmax.scan.msk.f32 $0xffff, v6;
	_ =	sdelay $0x5  }
0x27c: {  	v6, _, _ =	vpop (xrf0)  }
0x27d: {  	(v2sf) =	vpush v6, $0xF;
	_ =	sdelay $0xe  }
0x27e: {  	s26 =	spop (v2sf)  }
0x27f: {  	p0 =	sgt.f32 s26, $0.0e+00  }
.Ltmp40:
0x280: {  	_ = 	snop;
	(pc) =	sbr.rel @!p0 .LBB2_57-.Ltmp40, $1  }
0x281: {  	_ =	sdelay $0x3  }
0x282: {  	vm0 =	vne.s32 v12, $0x1  }
.LBB2_56:
0x283: {  	(xrf1) =	vunique.msk.u32 vm0, v3;
	_ =	sdelay $0xd  }
0x284: {  	_, v6, _ =	vpop (xrf1)  }
0x285: {  	vm1 =	veq.s32 v6, $0x1  }
0x286: {  	vm1 =	vmand vm0, vm1  }
0x287: {  	vm0 =	vmxor vm0, vm1  }
0x288: {  	v6 =	vsel vm0, $0x3F800000, v1  }
0x289: {  	(xrf0) =	vmax.scan.msk.f32 $0xffff, v6;
	_ =	sdelay $0x5  }
0x28a: {  	v6, _, _ =	vpop (xrf0)  }
0x28b: {  	(v2sf) =	vpush v6, $0xF;
	_ =	sdelay $0x7  }
0x28c: {  	v6 =	vld.idx.msk [tilespmem:v3+s18+$0x0], vm1;
	_ =	sdelay $0x4  }
0x28d: {  	v6 =	vmin.bf16 v6, v4  }
0x28e: {  	[tilespmem:v3+s18+$0x0] =	vst.idx.msk vm1, v6  }
0x28f: {  	v6 =	vld.idx.msk [tilespmem:v3+s19+$0x0], vm1;
	s26 =	spop (v2sf)  }
0x290: {  	p0 =	sgt.f32 s26, $0.0e+00  }
.Ltmp41:
0x291: {  	_ = 	snop;
	(pc) =	sbr.rel @p0 .LBB2_56-.Ltmp41, $3  }
0x292: {  	_ =	sdelay $0x1  }
0x293: {  	v6 =	vmin.bf16 v6, v5  }
0x294: {  	[tilespmem:v3+s19+$0x0] =	vst.idx.msk vm1, v6  }
.Ltmp42:
0x295: {  	_ = 	snop;
	(pc) =	sbr.rel .LBB2_57-.Ltmp42, $1  }
0x296: {  	_ =	sdelay $0x3  }
.LBB2_59:
0x297: {  	_ =	swait.ge [sflag:s12], $0x1900  }
0x298: {  	[sflag:s12] =	ssyncset.done $0x0  }
0x299: {  	[sflag:s12] =	ssyncadd.s32 $0xFFFFE700  }
0x29a: {  	_ =	swait.ge [sflag:s13], $0x1900  }
0x29b: {  	[sflag:s13] =	ssyncset.done $0x0  }
0x29c: {  	s23 =	simm.s32 $0x0;
	[sflag:s13] =	ssyncadd.s32 $0xFFFFE700  }
0x29d: {  	v4 =	vld [tilespmem:s23+$0x9D80]  }
0x29e: {  	v3 =	vld [tilespmem:s23+$0xC500]  }
0x29f: {  	s24 =	simm.s32 $0x40;
	v5 =	vld [tilespmem:s23+$0x4E80]  }
.LBB2_60:
0x2a0: {  	p0 =	sne.s32 s24, $0x9C00;
	v6 =	vld [tilespmem:s23+$0x7600];
	_ =	sdelay $0x1  }
.Ltmp43:
0x2a1: {  	(pc) =	sbr.rel @p0 .LBB2_60-.Ltmp43, $4  }
0x2a2: {  	s25 =	sshra.s32 s24, $0x2  }
0x2a3: {  	v5 =	vmin.bf16 v5, v4;
	v4 =	vld [tilespmem:s25+$0x9D80]  }
0x2a4: {  	[tilespmem:s23+$0x4E80] =	vst v5;
	v6 =	vmin.bf16 v6, v3;
	v3 =	vld [tilespmem:s25+$0xC500]  }
0x2a5: {  	s24 =	sadd.s32 $0x40, s24;
	v5 =	vld [tilespmem:s25+$0x4E80];
	[tilespmem:s23+$0x7600] =	vst v6;
	s23 =	smov.u32 s25  }
0x2a6: {  	v6 =	vld [tilespmem:s23+$0x7600];
	_ =	sdelay $0x3  }
0x2a7: {  	v4 =	vmin.bf16 v5, v4  }
0x2a8: {  	[tilespmem:s23+$0x4E80] =	vst v4;
	v3 =	vmin.bf16 v6, v3  }
0x2a9: {  	[tilespmem:s23+$0x7600] =	vst v3  }
0x2aa: {  	[hbm4b:s6+s2] =	stream.linear.scatter [tilespmem:s16], [sflag:$0x5], $0x2710, $0x38;
	[tilespmem:$0x15080] =	vst v63  }
0x2ab: {  	s22 =	sadd.s32 $0x1, s22;
	_ =	swait.ge [sflag:s9], $0x2710  }
0x2ac: {  	p0 =	sne.s32 s22, s8;
	[sflag:s9] =	ssyncset.done $0x0  }
.Ltmp44:
0x2ad: {  	[sflag:s9] =	ssyncadd.s32 $0xFFFFD8F0;
	(pc) =	sbr.rel @p0 .LBB2_1-.Ltmp44, $4  }
0x2ae: {  	[hbm4b:s7+s2] =	stream.linear.scatter [tilespmem:s17], [sflag:$0x5], $0x2710, $0x38;
	[tilespmem:$0x15080] =	vst v63  }
0x2af: {  	_ =	swait.ge [sflag:s9], $0x2710  }
0x2b0: {  	[sflag:s9] =	ssyncset.done $0x0  }
0x2b1: {  	[sflag:s9] =	ssyncadd.s32 $0xFFFFD8F0  }
0x2b2: {  	_ =	sfence.sel $0x180000  }
0x2b3: {  	[bflag:$0x0] =	sbarrier.arrive $0xFFFF  }
0x2b4: {  	p0 =	sne.s32 s0, $0x0;
	_ =	strace $0x90000047  }
0x2b5: {  	s0 =	sadd.s32 @!p0 $0x100000, s1;
	[bflag:$0x2] =	sbarrier.arrive $0xFFFF  }
0x2b6: {  	[sflag:s0] =	ssyncadd.tile.s32 @!p0 $0x1;
	_ =	shalt  }
.Lfunc_end2:
_tile_overlayer_lowered:
.L_overlay_start_2:
0x2b7: {  	(tag) =	ssettag $0x2  }
0x2b8: {  	s0 =	rddreg [dreg:$0x0];
	s2 =	stileid.u32  }
0x2b9: {  	s1 =	rddreg [dreg:$0x1];
	p0 =	sne.s32 s2, $0x0  }
0x2ba: {  	s3 =	rddreg [dreg:$0x2];
	[bflag:$0x3] =	sbarrier.arrive $0xFFFF;
	s2 =	simm.s32 @!p0 $0x1C05  }
0x2bb: {  	[timem:s3], [sflag:s2] =	dma.local @!p0 [hbm:s0], s1  }
0x2bc: {  	s0 =	simm.s32 @!p0 $0x5  }
0x2bd: {  	_ =	swait.ge @!p0 [sflag:s0], s1  }
0x2be: {  	s1 =	ssub.s32 @!p0 $0x0, s1;
	[sflag:s0] =	ssyncset.done @!p0 $0x0  }
0x2bf: {  	[sflag:s0] =	ssyncadd.s32 @!p0 s1  }
0x2c0: {  	[bflag:$0x3] =	sbarrier.arrive $0xFFFF  }
0x2c1: {  	_ =	shalt  }

</sc_bundles>
